<compile_context>
chip_gen: v7x
topology: tpu7x:2x2x1
jax: 0.10.2.dev20260603
libtpu: 0.0.44.dev20260713+nightly
codegen_flags: <defaults>
</compile_context>

<pallas_src>
import functools

import jax
import jax.numpy as jnp
from jax import lax
from jax.experimental import pallas as pl
from jax.experimental.pallas import tpu as pltpu
from jax.experimental.pallas import tpu_sc as plsc

LN_EPS = 1e-5

_info = plsc.get_sparse_core_info()
_NC, _NS = _info.num_cores, _info.num_subcores
_NW = _NC * _NS


def _sc_gather(ids_flat, table, chunk):
    n = ids_flat.shape[0]
    d = table.shape[1]
    per_w = n // _NW
    n_chunks = per_w // chunk
    mesh = plsc.VectorSubcoreMesh(core_axis_name="c", subcore_axis_name="s")

    @functools.partial(
        pl.kernel,
        mesh=mesh,
        out_type=jax.ShapeDtypeStruct((n, d), jnp.float32),
        scratch_types=[
            pltpu.VMEM((per_w,), jnp.int32),
            pltpu.VMEM((8, chunk, d), jnp.float32),
            pltpu.SemaphoreType.DMA,
            pltpu.SemaphoreType.DMA,
        ],
    )
    def k(ids_hbm, table_hbm, out_hbm, idx_v, rows_v, gsem, osem):
        nslots = 8
        wid = lax.axis_index("s") * _NC + lax.axis_index("c")
        base = wid * per_w
        pltpu.sync_copy(ids_hbm.at[pl.ds(base, per_w)], idx_v)

        def issue(slot, ci):
            return pltpu.async_copy(
                table_hbm.at[idx_v.at[pl.ds(ci * chunk, chunk)]],
                rows_v.at[slot], gsem)

        ga = [None] * nslots
        wb = [None] * nslots
        for ci in range(min(nslots, n_chunks)):
            ga[ci] = issue(ci, ci)
        for ci in range(n_chunks):
            slot = ci % nslots
            ga[slot].wait()
            off = base + ci * chunk
            wb[slot] = pltpu.async_copy(rows_v.at[slot],
                                        out_hbm.at[pl.ds(off, chunk)], osem)
            nxt = ci + nslots
            if nxt < n_chunks:
                wb[slot].wait()
                wb[slot] = None
                ga[slot] = issue(slot, nxt)
        for w in wb:
            if w is not None:
                w.wait()

    return k(ids_flat, table)


def _ln_body(g_ref, pos_ref, segf_ref, segtab_ref, gam_ref, bet_ref, o_ref):
    x = g_ref[...] + pos_ref[...]
    s0 = segtab_ref[0:1, :]
    s1 = segtab_ref[1:2, :]
    x = x + s0 + segf_ref[...].astype(jnp.float32) * (s1 - s0)
    mean = jnp.mean(x, axis=1, keepdims=True)
    xc = x - mean
    var = jnp.mean(xc * xc, axis=1, keepdims=True)
    y = xc * lax.rsqrt(var + LN_EPS)
    o_ref[...] = y * gam_ref[...] + bet_ref[...]


def _tc_ln(gathered, pos_table, seg_f, segment_table, gamma2d, beta2d,
           block_rows):
    n, d = gathered.shape
    seq = pos_table.shape[0]
    pos_blocks = seq // block_rows
    batch = n // seq

    return pl.pallas_call(
        _ln_body,
        grid=(pos_blocks, batch),
        in_specs=[
            pl.BlockSpec((block_rows, d), lambda p, b: (b * pos_blocks + p, 0)),
            pl.BlockSpec((block_rows, d), lambda p, b: (p, 0)),
            pl.BlockSpec((block_rows, 1), lambda p, b: (b * pos_blocks + p, 0)),
            pl.BlockSpec(segment_table.shape, lambda p, b: (0, 0)),
            pl.BlockSpec((1, d), lambda p, b: (0, 0)),
            pl.BlockSpec((1, d), lambda p, b: (0, 0)),
        ],
        out_specs=pl.BlockSpec((block_rows, d),
                               lambda p, b: (b * pos_blocks + p, 0)),
        out_shape=jax.ShapeDtypeStruct((n, d), jnp.float32),
    )(gathered, pos_table, seg_f, segment_table, gamma2d, beta2d)


def kernel(input_ids, segment_ids, token_table, segment_table, pos_table,
           ln_gamma, ln_beta):
    batch, seq = input_ids.shape
    d = token_table.shape[1]

    ids_flat = input_ids.reshape(-1).astype(jnp.int32)
    seg_f = segment_ids.reshape(-1, 1).astype(jnp.int32)
    gamma2d = ln_gamma.reshape(1, d)
    beta2d = ln_beta.reshape(1, d)

    gathered = _sc_gather(ids_flat, token_table, chunk=16)
    out = _tc_ln(gathered, pos_table, seg_f, segment_table,
                 gamma2d, beta2d, block_rows=2048)
    return out.reshape(batch, seq, d)

# --- scband reference (transcript-rebuilt; emitter-appended) ---
"""Pipeline reference for scband-bertembeddings-49735721288128 (READ-ONLY COPY).

The authoritative reference and input builder live on the scoring server;
editing this copy changes nothing except your own understanding.
"""

import jax, jax.numpy as jnp
import numpy as np

VOCAB = 100000
D_MODEL = 768
MAX_SEQ = 2048
N_SEG = 2
BATCH = 4
SEQ = 2048
LN_EPS = 1e-5


def setup_inputs(seed: int = 0) -> dict:
    key = jax.random.key(seed)
    k1, k2, k3, k4, k5 = jax.random.split(key, 5)
    input_ids = jax.random.randint(k1, (BATCH, SEQ), 0, VOCAB, dtype=jnp.int64 if jax.config.jax_enable_x64 else jnp.int32)
    segment_ids = jax.random.randint(k2, (BATCH, SEQ), 0, N_SEG, dtype=jnp.int64 if jax.config.jax_enable_x64 else jnp.int32)
    token_table = jax.random.normal(k3, (VOCAB, D_MODEL), dtype=jnp.float32) * 0.02
    token_table = token_table.at[0].set(0.0)  # padding_idx=0 row initialized to zero
    segment_table = jax.random.normal(k4, (N_SEG, D_MODEL), dtype=jnp.float32) * 0.02
    pos_table = jax.random.normal(k5, (MAX_SEQ, D_MODEL), dtype=jnp.float32) * 0.02
    ln_gamma = jnp.ones((D_MODEL,), dtype=jnp.float32)
    ln_beta = jnp.zeros((D_MODEL,), dtype=jnp.float32)
    return {
        "input_ids": input_ids,
        "segment_ids": segment_ids,
        "token_table": token_table,
        "segment_table": segment_table,
        "pos_table": pos_table,
        "ln_gamma": ln_gamma,
        "ln_beta": ln_beta,
    }


def reference(input_ids, segment_ids, token_table, segment_table, pos_table, ln_gamma, ln_beta):
    batch, seq_len = input_ids.shape
    # token embeddings: gather rows
    token_embeds = jnp.take(token_table, input_ids, axis=0)  # (B, S, D)
    # learned positional embeddings for positions [0, seq_len)
    positions = jnp.arange(seq_len)
    pos_embeds = jnp.take(pos_table, positions, axis=0)  # (S, D)
    pos_embeds = jnp.broadcast_to(pos_embeds[None, :, :], (batch, seq_len, pos_embeds.shape[-1]))
    # segment embeddings
    segment_embeds = jnp.take(segment_table, segment_ids, axis=0)  # (B, S, D)
    embeddings = token_embeds + pos_embeds + segment_embeds
    # LayerNorm over last dim (eps=1e-5, elementwise affine)
    mean = jnp.mean(embeddings, axis=-1, keepdims=True)
    var = jnp.mean(jnp.square(embeddings - mean), axis=-1, keepdims=True)
    normed = (embeddings - mean) / jnp.sqrt(var + LN_EPS)
    out = normed * ln_gamma + ln_beta
    # dropout p=0.0 (identity)
    return out

if __name__ == "__main__":
    import jax
    _d = setup_inputs()
    print(jax.jit(kernel)(*tuple(_d.values())))

</pallas_src>

<mosaic_0001>
#map = affine_map<(d0, d1) -> (0)>
#map1 = affine_map<(d0, d1) -> (0, 0)>
module attributes {stable_mosaic.version = 14 : i64} {
  func.func @k(%arg0: i32, %arg1: i32, %arg2: memref<8192xi32, #tpu.memory_space<hbm>>, %arg3: memref<100000x768xf32, #tpu.memory_space<hbm>>, %arg4: memref<8192x768xf32, #tpu.memory_space<hbm>>, %arg5: memref<256xi32, #tpu.memory_space<vmem>>, %arg6: memref<8x16x768xf32, #tpu.memory_space<vmem>>, %arg7: memref<!tpu.dma_semaphore, #tpu.memory_space<semaphore_mem>>, %arg8: memref<!tpu.dma_semaphore, #tpu.memory_space<semaphore_mem>>) attributes {dimension_semantics = [#tpu.dimension_semantics<core_parallel>, #tpu.dimension_semantics<subcore_parallel>], iteration_bounds = array<i64: 2, 16>, scalar_prefetch = 0 : i64, scratch_operands = 4 : i64, tpu.core_type = #tpu.core_type<sc_vector_subcore>, window_params = [{transform_indices = #map}, {transform_indices = #map1}, {transform_indices = #map1}]} {
    %mul3A = arith.constant 2 : i32
    %mul3A_0 = arith.muli %arg1, %mul3A : i32
    %add3A = arith.addi %mul3A_0, %arg0 : i32
    %mul3A_1 = arith.constant 256 : i32
    %mul3A_2 = arith.muli %add3A, %mul3A_1 : i32
    "tpu.region"() ({
      %run_scoped3A = tpu.sem_alloc : memref<!tpu.dma_semaphore, #tpu.memory_space<semaphore_mem>>
      %dma_start3A_769 = tpu.memref_slice %arg2[%mul3A_2] : memref<8192xi32, #tpu.memory_space<hbm>> -> memref<256xi32, #tpu.memory_space<hbm>>
      %dma_start3A_770 = tpu.memref_slice %arg2[%mul3A_2] : memref<8192xi32, #tpu.memory_space<hbm>> -> memref<256xi32, #tpu.memory_space<hbm>>
      tpu.enqueue_dma source(%dma_start3A_770 : memref<256xi32, #tpu.memory_space<hbm>>) target(%arg5 : memref<256xi32, #tpu.memory_space<vmem>>) target_semaphore(%run_scoped3A : memref<!tpu.dma_semaphore, #tpu.memory_space<semaphore_mem>>)
      %dma_wait3A_771 = tpu.memref_slice %arg2[%mul3A_2] : memref<8192xi32, #tpu.memory_space<hbm>> -> memref<256xi32, #tpu.memory_space<hbm>>
      %dma_wait3A_772 = tpu.memref_slice %arg2[%mul3A_2] : memref<8192xi32, #tpu.memory_space<hbm>> -> memref<256xi32, #tpu.memory_space<hbm>>
      tpu.wait_dma2 semaphore(%run_scoped3A : memref<!tpu.dma_semaphore, #tpu.memory_space<semaphore_mem>>) src(%dma_wait3A_772 : memref<256xi32, #tpu.memory_space<hbm>>) dst(%arg5 : memref<256xi32, #tpu.memory_space<vmem>>)
      tpu.yield
    }) : () -> ()
    %dma_start3A = arith.constant 0 : i32
    %dma_start3A_3 = arith.constant 0 : i32
    %dma_start3A_4 = arith.constant 0 : i32
    %dma_start3A_5 = tpu.memref_slice %arg6[%dma_start3A, %dma_start3A_3, %dma_start3A_4] : memref<8x16x768xf32, #tpu.memory_space<vmem>> -> memref<1x16x768xf32, #tpu.memory_space<vmem>>
    %dma_start3A_6 = tpu.memref_squeeze %dma_start3A_5 : memref<1x16x768xf32, #tpu.memory_space<vmem>> -> memref<16x768xf32, #tpu.memory_space<vmem>>
    %dma_start3A_7 = arith.constant 0 : i32
    %dma_start3A_8 = tpu.memref_slice %arg5[%dma_start3A_7] : memref<256xi32, #tpu.memory_space<vmem>> -> memref<16xi32, #tpu.memory_space<vmem>>
    %dma_start3A_9 = arith.constant 0 : i32
    %dma_start3A_10 = arith.constant 0 : i32
    %dma_start3A_11 = tpu.memref_slice %arg3[%dma_start3A_9, %dma_start3A_10] : memref<100000x768xf32, #tpu.memory_space<hbm>> -> memref<100000x768xf32, #tpu.memory_space<hbm>>
    tpu.enqueue_indirect_dma source(%dma_start3A_11 : memref<100000x768xf32, #tpu.memory_space<hbm>>) target(%dma_start3A_6 : memref<16x768xf32, #tpu.memory_space<vmem>>) offsets(%dma_start3A_8 : memref<16xi32, #tpu.memory_space<vmem>>) semaphore(%arg7 : memref<!tpu.dma_semaphore, #tpu.memory_space<semaphore_mem>>)
    %dma_start3A_12 = arith.constant 1 : i32
    %dma_start3A_13 = arith.constant 0 : i32
    %dma_start3A_14 = arith.constant 0 : i32
    %dma_start3A_15 = tpu.memref_slice %arg6[%dma_start3A_12, %dma_start3A_13, %dma_start3A_14] : memref<8x16x768xf32, #tpu.memory_space<vmem>> -> memref<1x16x768xf32, #tpu.memory_space<vmem>>
    %dma_start3A_16 = tpu.memref_squeeze %dma_start3A_15 : memref<1x16x768xf32, #tpu.memory_space<vmem>> -> memref<16x768xf32, #tpu.memory_space<vmem>>
    %dma_start3A_17 = arith.constant 16 : i32
    %dma_start3A_18 = tpu.memref_slice %arg5[%dma_start3A_17] : memref<256xi32, #tpu.memory_space<vmem>> -> memref<16xi32, #tpu.memory_space<vmem>>
    %dma_start3A_19 = arith.constant 0 : i32
    %dma_start3A_20 = arith.constant 0 : i32
    %dma_start3A_21 = tpu.memref_slice %arg3[%dma_start3A_19, %dma_start3A_20] : memref<100000x768xf32, #tpu.memory_space<hbm>> -> memref<100000x768xf32, #tpu.memory_space<hbm>>
    tpu.enqueue_indirect_dma source(%dma_start3A_21 : memref<100000x768xf32, #tpu.memory_space<hbm>>) target(%dma_start3A_16 : memref<16x768xf32, #tpu.memory_space<vmem>>) offsets(%dma_start3A_18 : memref<16xi32, #tpu.memory_space<vmem>>) semaphore(%arg7 : memref<!tpu.dma_semaphore, #tpu.memory_space<semaphore_mem>>)
    %dma_start3A_22 = arith.constant 2 : i32
    %dma_start3A_23 = arith.constant 0 : i32
    %dma_start3A_24 = arith.constant 0 : i32
    %dma_start3A_25 = tpu.memref_slice %arg6[%dma_start3A_22, %dma_start3A_23, %dma_start3A_24] : memref<8x16x768xf32, #tpu.memory_space<vmem>> -> memref<1x16x768xf32, #tpu.memory_space<vmem>>
    %dma_start3A_26 = tpu.memref_squeeze %dma_start3A_25 : memref<1x16x768xf32, #tpu.memory_space<vmem>> -> memref<16x768xf32, #tpu.memory_space<vmem>>
    %dma_start3A_27 = arith.constant 32 : i32
    %dma_start3A_28 = tpu.memref_slice %arg5[%dma_start3A_27] : memref<256xi32, #tpu.memory_space<vmem>> -> memref<16xi32, #tpu.memory_space<vmem>>
    %dma_start3A_29 = arith.constant 0 : i32
    %dma_start3A_30 = arith.constant 0 : i32
    %dma_start3A_31 = tpu.memref_slice %arg3[%dma_start3A_29, %dma_start3A_30] : memref<100000x768xf32, #tpu.memory_space<hbm>> -> memref<100000x768xf32, #tpu.memory_space<hbm>>
    tpu.enqueue_indirect_dma source(%dma_start3A_31 : memref<100000x768xf32, #tpu.memory_space<hbm>>) target(%dma_start3A_26 : memref<16x768xf32, #tpu.memory_space<vmem>>) offsets(%dma_start3A_28 : memref<16xi32, #tpu.memory_space<vmem>>) semaphore(%arg7 : memref<!tpu.dma_semaphore, #tpu.memory_space<semaphore_mem>>)
    %dma_start3A_32 = arith.constant 3 : i32
    %dma_start3A_33 = arith.constant 0 : i32
    %dma_start3A_34 = arith.constant 0 : i32
    %dma_start3A_35 = tpu.memref_slice %arg6[%dma_start3A_32, %dma_start3A_33, %dma_start3A_34] : memref<8x16x768xf32, #tpu.memory_space<vmem>> -> memref<1x16x768xf32, #tpu.memory_space<vmem>>
    %dma_start3A_36 = tpu.memref_squeeze %dma_start3A_35 : memref<1x16x768xf32, #tpu.memory_space<vmem>> -> memref<16x768xf32, #tpu.memory_space<vmem>>
    %dma_start3A_37 = arith.constant 48 : i32
    %dma_start3A_38 = tpu.memref_slice %arg5[%dma_start3A_37] : memref<256xi32, #tpu.memory_space<vmem>> -> memref<16xi32, #tpu.memory_space<vmem>>
    %dma_start3A_39 = arith.constant 0 : i32
    %dma_start3A_40 = arith.constant 0 : i32
    %dma_start3A_41 = tpu.memref_slice %arg3[%dma_start3A_39, %dma_start3A_40] : memref<100000x768xf32, #tpu.memory_space<hbm>> -> memref<100000x768xf32, #tpu.memory_space<hbm>>
    tpu.enqueue_indirect_dma source(%dma_start3A_41 : memref<100000x768xf32, #tpu.memory_space<hbm>>) target(%dma_start3A_36 : memref<16x768xf32, #tpu.memory_space<vmem>>) offsets(%dma_start3A_38 : memref<16xi32, #tpu.memory_space<vmem>>) semaphore(%arg7 : memref<!tpu.dma_semaphore, #tpu.memory_space<semaphore_mem>>)
    %dma_start3A_42 = arith.constant 4 : i32
    %dma_start3A_43 = arith.constant 0 : i32
    %dma_start3A_44 = arith.constant 0 : i32
    %dma_start3A_45 = tpu.memref_slice %arg6[%dma_start3A_42, %dma_start3A_43, %dma_start3A_44] : memref<8x16x768xf32, #tpu.memory_space<vmem>> -> memref<1x16x768xf32, #tpu.memory_space<vmem>>
    %dma_start3A_46 = tpu.memref_squeeze %dma_start3A_45 : memref<1x16x768xf32, #tpu.memory_space<vmem>> -> memref<16x768xf32, #tpu.memory_space<vmem>>
    %dma_start3A_47 = arith.constant 64 : i32
    %dma_start3A_48 = tpu.memref_slice %arg5[%dma_start3A_47] : memref<256xi32, #tpu.memory_space<vmem>> -> memref<16xi32, #tpu.memory_space<vmem>>
    %dma_start3A_49 = arith.constant 0 : i32
    %dma_start3A_50 = arith.constant 0 : i32
    %dma_start3A_51 = tpu.memref_slice %arg3[%dma_start3A_49, %dma_start3A_50] : memref<100000x768xf32, #tpu.memory_space<hbm>> -> memref<100000x768xf32, #tpu.memory_space<hbm>>
    tpu.enqueue_indirect_dma source(%dma_start3A_51 : memref<100000x768xf32, #tpu.memory_space<hbm>>) target(%dma_start3A_46 : memref<16x768xf32, #tpu.memory_space<vmem>>) offsets(%dma_start3A_48 : memref<16xi32, #tpu.memory_space<vmem>>) semaphore(%arg7 : memref<!tpu.dma_semaphore, #tpu.memory_space<semaphore_mem>>)
    %dma_start3A_52 = arith.constant 5 : i32
    %dma_start3A_53 = arith.constant 0 : i32
    %dma_start3A_54 = arith.constant 0 : i32
    %dma_start3A_55 = tpu.memref_slice %arg6[%dma_start3A_52, %dma_start3A_53, %dma_start3A_54] : memref<8x16x768xf32, #tpu.memory_space<vmem>> -> memref<1x16x768xf32, #tpu.memory_space<vmem>>
    %dma_start3A_56 = tpu.memref_squeeze %dma_start3A_55 : memref<1x16x768xf32, #tpu.memory_space<vmem>> -> memref<16x768xf32, #tpu.memory_space<vmem>>
    %dma_start3A_57 = arith.constant 80 : i32
    %dma_start3A_58 = tpu.memref_slice %arg5[%dma_start3A_57] : memref<256xi32, #tpu.memory_space<vmem>> -> memref<16xi32, #tpu.memory_space<vmem>>
    %dma_start3A_59 = arith.constant 0 : i32
    %dma_start3A_60 = arith.constant 0 : i32
    %dma_start3A_61 = tpu.memref_slice %arg3[%dma_start3A_59, %dma_start3A_60] : memref<100000x768xf32, #tpu.memory_space<hbm>> -> memref<100000x768xf32, #tpu.memory_space<hbm>>
    tpu.enqueue_indirect_dma source(%dma_start3A_61 : memref<100000x768xf32, #tpu.memory_space<hbm>>) target(%dma_start3A_56 : memref<16x768xf32, #tpu.memory_space<vmem>>) offsets(%dma_start3A_58 : memref<16xi32, #tpu.memory_space<vmem>>) semaphore(%arg7 : memref<!tpu.dma_semaphore, #tpu.memory_space<semaphore_mem>>)
    %dma_start3A_62 = arith.constant 6 : i32
    %dma_start3A_63 = arith.constant 0 : i32
    %dma_start3A_64 = arith.constant 0 : i32
    %dma_start3A_65 = tpu.memref_slice %arg6[%dma_start3A_62, %dma_start3A_63, %dma_start3A_64] : memref<8x16x768xf32, #tpu.memory_space<vmem>> -> memref<1x16x768xf32, #tpu.memory_space<vmem>>
    %dma_start3A_66 = tpu.memref_squeeze %dma_start3A_65 : memref<1x16x768xf32, #tpu.memory_space<vmem>> -> memref<16x768xf32, #tpu.memory_space<vmem>>
    %dma_start3A_67 = arith.constant 96 : i32
    %dma_start3A_68 = tpu.memref_slice %arg5[%dma_start3A_67] : memref<256xi32, #tpu.memory_space<vmem>> -> memref<16xi32, #tpu.memory_space<vmem>>
    %dma_start3A_69 = arith.constant 0 : i32
    %dma_start3A_70 = arith.constant 0 : i32
    %dma_start3A_71 = tpu.memref_slice %arg3[%dma_start3A_69, %dma_start3A_70] : memref<100000x768xf32, #tpu.memory_space<hbm>> -> memref<100000x768xf32, #tpu.memory_space<hbm>>
    tpu.enqueue_indirect_dma source(%dma_start3A_71 : memref<100000x768xf32, #tpu.memory_space<hbm>>) target(%dma_start3A_66 : memref<16x768xf32, #tpu.memory_space<vmem>>) offsets(%dma_start3A_68 : memref<16xi32, #tpu.memory_space<vmem>>) semaphore(%arg7 : memref<!tpu.dma_semaphore, #tpu.memory_space<semaphore_mem>>)
    %dma_start3A_72 = arith.constant 7 : i32
    %dma_start3A_73 = arith.constant 0 : i32
    %dma_start3A_74 = arith.constant 0 : i32
    %dma_start3A_75 = tpu.memref_slice %arg6[%dma_start3A_72, %dma_start3A_73, %dma_start3A_74] : memref<8x16x768xf32, #tpu.memory_space<vmem>> -> memref<1x16x768xf32, #tpu.memory_space<vmem>>
    %dma_start3A_76 = tpu.memref_squeeze %dma_start3A_75 : memref<1x16x768xf32, #tpu.memory_space<vmem>> -> memref<16x768xf32, #tpu.memory_space<vmem>>
    %dma_start3A_77 = arith.constant 112 : i32
    %dma_start3A_78 = tpu.memref_slice %arg5[%dma_start3A_77] : memref<256xi32, #tpu.memory_space<vmem>> -> memref<16xi32, #tpu.memory_space<vmem>>
    %dma_start3A_79 = arith.constant 0 : i32
    %dma_start3A_80 = arith.constant 0 : i32
    %dma_start3A_81 = tpu.memref_slice %arg3[%dma_start3A_79, %dma_start3A_80] : memref<100000x768xf32, #tpu.memory_space<hbm>> -> memref<100000x768xf32, #tpu.memory_space<hbm>>
    tpu.enqueue_indirect_dma source(%dma_start3A_81 : memref<100000x768xf32, #tpu.memory_space<hbm>>) target(%dma_start3A_76 : memref<16x768xf32, #tpu.memory_space<vmem>>) offsets(%dma_start3A_78 : memref<16xi32, #tpu.memory_space<vmem>>) semaphore(%arg7 : memref<!tpu.dma_semaphore, #tpu.memory_space<semaphore_mem>>)
    %dma_wait3A = arith.constant 0 : i32
    %dma_wait3A_82 = arith.constant 0 : i32
    %dma_wait3A_83 = arith.constant 0 : i32
    %dma_wait3A_84 = tpu.memref_slice %arg6[%dma_wait3A, %dma_wait3A_82, %dma_wait3A_83] : memref<8x16x768xf32, #tpu.memory_space<vmem>> -> memref<1x16x768xf32, #tpu.memory_space<vmem>>
    %dma_wait3A_85 = tpu.memref_squeeze %dma_wait3A_84 : memref<1x16x768xf32, #tpu.memory_space<vmem>> -> memref<16x768xf32, #tpu.memory_space<vmem>>
    %dma_wait3A_86 = arith.constant 0 : i32
    %dma_wait3A_87 = tpu.memref_slice %arg5[%dma_wait3A_86] : memref<256xi32, #tpu.memory_space<vmem>> -> memref<16xi32, #tpu.memory_space<vmem>>
    %dma_wait3A_88 = arith.constant 0 : i32
    %dma_wait3A_89 = arith.constant 0 : i32
    %dma_wait3A_90 = tpu.memref_slice %arg3[%dma_wait3A_88, %dma_wait3A_89] : memref<100000x768xf32, #tpu.memory_space<hbm>> -> memref<100000x768xf32, #tpu.memory_space<hbm>>
    tpu.wait_indirect_dma semaphore(%arg7 : memref<!tpu.dma_semaphore, #tpu.memory_space<semaphore_mem>>) src(%dma_wait3A_90 : memref<100000x768xf32, #tpu.memory_space<hbm>>) dst(%dma_wait3A_85 : memref<16x768xf32, #tpu.memory_space<vmem>>)
    %add3A_91 = arith.constant 0 : i32
    %add3A_92 = arith.addi %mul3A_2, %add3A_91 : i32
    %dma_start3A_93 = arith.constant 0 : i32
    %dma_start3A_94 = arith.constant 0 : i32
    %dma_start3A_95 = arith.constant 0 : i32
    %dma_start3A_96 = tpu.memref_slice %arg6[%dma_start3A_93, %dma_start3A_94, %dma_start3A_95] : memref<8x16x768xf32, #tpu.memory_space<vmem>> -> memref<1x16x768xf32, #tpu.memory_space<vmem>>
    %dma_start3A_97 = tpu.memref_squeeze %dma_start3A_96 : memref<1x16x768xf32, #tpu.memory_space<vmem>> -> memref<16x768xf32, #tpu.memory_space<vmem>>
    %dma_start3A_98 = arith.constant 0 : i32
    %dma_start3A_99 = tpu.memref_slice %arg4[%add3A_92, %dma_start3A_98] : memref<8192x768xf32, #tpu.memory_space<hbm>> -> memref<16x768xf32, #tpu.memory_space<hbm>>
    %dma_start3A_100 = arith.constant 0 : i32
    %dma_start3A_101 = tpu.memref_slice %arg4[%add3A_92, %dma_start3A_100] : memref<8192x768xf32, #tpu.memory_space<hbm>> -> memref<16x768xf32, #tpu.memory_space<hbm>>
    %dma_start3A_102 = arith.constant 0 : i32
    %dma_start3A_103 = arith.constant 0 : i32
    %dma_start3A_104 = tpu.memref_slice %arg6[%dma_start3A_93, %dma_start3A_102, %dma_start3A_103] : memref<8x16x768xf32, #tpu.memory_space<vmem>> -> memref<1x16x768xf32, #tpu.memory_space<vmem>>
    %dma_start3A_105 = tpu.memref_squeeze %dma_start3A_104 : memref<1x16x768xf32, #tpu.memory_space<vmem>> -> memref<16x768xf32, #tpu.memory_space<vmem>>
    tpu.enqueue_dma source(%dma_start3A_105 : memref<16x768xf32, #tpu.memory_space<vmem>>) target(%dma_start3A_101 : memref<16x768xf32, #tpu.memory_space<hbm>>) target_semaphore(%arg8 : memref<!tpu.dma_semaphore, #tpu.memory_space<semaphore_mem>>)
    %dma_wait3A_106 = arith.constant 0 : i32
    %dma_wait3A_107 = arith.constant 0 : i32
    %dma_wait3A_108 = arith.constant 0 : i32
    %dma_wait3A_109 = tpu.memref_slice %arg6[%dma_wait3A_106, %dma_wait3A_107, %dma_wait3A_108] : memref<8x16x768xf32, #tpu.memory_space<vmem>> -> memref<1x16x768xf32, #tpu.memory_space<vmem>>
    %dma_wait3A_110 = tpu.memref_squeeze %dma_wait3A_109 : memref<1x16x768xf32, #tpu.memory_space<vmem>> -> memref<16x768xf32, #tpu.memory_space<vmem>>
    %dma_wait3A_111 = arith.constant 0 : i32
    %dma_wait3A_112 = tpu.memref_slice %arg4[%add3A_92, %dma_wait3A_111] : memref<8192x768xf32, #tpu.memory_space<hbm>> -> memref<16x768xf32, #tpu.memory_space<hbm>>
    %dma_wait3A_113 = arith.constant 0 : i32
    %dma_wait3A_114 = tpu.memref_slice %arg4[%add3A_92, %dma_wait3A_113] : memref<8192x768xf32, #tpu.memory_space<hbm>> -> memref<16x768xf32, #tpu.memory_space<hbm>>
    %dma_wait3A_115 = arith.constant 0 : i32
    %dma_wait3A_116 = arith.constant 0 : i32
    %dma_wait3A_117 = tpu.memref_slice %arg6[%dma_wait3A_106, %dma_wait3A_115, %dma_wait3A_116] : memref<8x16x768xf32, #tpu.memory_space<vmem>> -> memref<1x16x768xf32, #tpu.memory_space<vmem>>
    %dma_wait3A_118 = tpu.memref_squeeze %dma_wait3A_117 : memref<1x16x768xf32, #tpu.memory_space<vmem>> -> memref<16x768xf32, #tpu.memory_space<vmem>>
    tpu.wait_dma2 semaphore(%arg8 : memref<!tpu.dma_semaphore, #tpu.memory_space<semaphore_mem>>) src(%dma_wait3A_118 : memref<16x768xf32, #tpu.memory_space<vmem>>) dst(%dma_wait3A_114 : memref<16x768xf32, #tpu.memory_space<hbm>>)
    %dma_start3A_119 = arith.constant 0 : i32
    %dma_start3A_120 = arith.constant 0 : i32
    %dma_start3A_121 = arith.constant 0 : i32
    %dma_start3A_122 = tpu.memref_slice %arg6[%dma_start3A_119, %dma_start3A_120, %dma_start3A_121] : memref<8x16x768xf32, #tpu.memory_space<vmem>> -> memref<1x16x768xf32, #tpu.memory_space<vmem>>
    %dma_start3A_123 = tpu.memref_squeeze %dma_start3A_122 : memref<1x16x768xf32, #tpu.memory_space<vmem>> -> memref<16x768xf32, #tpu.memory_space<vmem>>
    %dma_start3A_124 = arith.constant 128 : i32
    %dma_start3A_125 = tpu.memref_slice %arg5[%dma_start3A_124] : memref<256xi32, #tpu.memory_space<vmem>> -> memref<16xi32, #tpu.memory_space<vmem>>
    %dma_start3A_126 = arith.constant 0 : i32
    %dma_start3A_127 = arith.constant 0 : i32
    %dma_start3A_128 = tpu.memref_slice %arg3[%dma_start3A_126, %dma_start3A_127] : memref<100000x768xf32, #tpu.memory_space<hbm>> -> memref<100000x768xf32, #tpu.memory_space<hbm>>
    tpu.enqueue_indirect_dma source(%dma_start3A_128 : memref<100000x768xf32, #tpu.memory_space<hbm>>) target(%dma_start3A_123 : memref<16x768xf32, #tpu.memory_space<vmem>>) offsets(%dma_start3A_125 : memref<16xi32, #tpu.memory_space<vmem>>) semaphore(%arg7 : memref<!tpu.dma_semaphore, #tpu.memory_space<semaphore_mem>>)
    %dma_wait3A_129 = arith.constant 1 : i32
    %dma_wait3A_130 = arith.constant 0 : i32
    %dma_wait3A_131 = arith.constant 0 : i32
    %dma_wait3A_132 = tpu.memref_slice %arg6[%dma_wait3A_129, %dma_wait3A_130, %dma_wait3A_131] : memref<8x16x768xf32, #tpu.memory_space<vmem>> -> memref<1x16x768xf32, #tpu.memory_space<vmem>>
    %dma_wait3A_133 = tpu.memref_squeeze %dma_wait3A_132 : memref<1x16x768xf32, #tpu.memory_space<vmem>> -> memref<16x768xf32, #tpu.memory_space<vmem>>
    %dma_wait3A_134 = arith.constant 16 : i32
    %dma_wait3A_135 = tpu.memref_slice %arg5[%dma_wait3A_134] : memref<256xi32, #tpu.memory_space<vmem>> -> memref<16xi32, #tpu.memory_space<vmem>>
    %dma_wait3A_136 = arith.constant 0 : i32
    %dma_wait3A_137 = arith.constant 0 : i32
    %dma_wait3A_138 = tpu.memref_slice %arg3[%dma_wait3A_136, %dma_wait3A_137] : memref<100000x768xf32, #tpu.memory_space<hbm>> -> memref<100000x768xf32, #tpu.memory_space<hbm>>
    tpu.wait_indirect_dma semaphore(%arg7 : memref<!tpu.dma_semaphore, #tpu.memory_space<semaphore_mem>>) src(%dma_wait3A_138 : memref<100000x768xf32, #tpu.memory_space<hbm>>) dst(%dma_wait3A_133 : memref<16x768xf32, #tpu.memory_space<vmem>>)
    %add3A_139 = arith.constant 16 : i32
    %add3A_140 = arith.addi %mul3A_2, %add3A_139 : i32
    %dma_start3A_141 = arith.constant 1 : i32
    %dma_start3A_142 = arith.constant 0 : i32
    %dma_start3A_143 = arith.constant 0 : i32
    %dma_start3A_144 = tpu.memref_slice %arg6[%dma_start3A_141, %dma_start3A_142, %dma_start3A_143] : memref<8x16x768xf32, #tpu.memory_space<vmem>> -> memref<1x16x768xf32, #tpu.memory_space<vmem>>
    %dma_start3A_145 = tpu.memref_squeeze %dma_start3A_144 : memref<1x16x768xf32, #tpu.memory_space<vmem>> -> memref<16x768xf32, #tpu.memory_space<vmem>>
    %dma_start3A_146 = arith.constant 0 : i32
    %dma_start3A_147 = tpu.memref_slice %arg4[%add3A_140, %dma_start3A_146] : memref<8192x768xf32, #tpu.memory_space<hbm>> -> memref<16x768xf32, #tpu.memory_space<hbm>>
    %dma_start3A_148 = arith.constant 0 : i32
    %dma_start3A_149 = tpu.memref_slice %arg4[%add3A_140, %dma_start3A_148] : memref<8192x768xf32, #tpu.memory_space<hbm>> -> memref<16x768xf32, #tpu.memory_space<hbm>>
    %dma_start3A_150 = arith.constant 0 : i32
    %dma_start3A_151 = arith.constant 0 : i32
    %dma_start3A_152 = tpu.memref_slice %arg6[%dma_start3A_141, %dma_start3A_150, %dma_start3A_151] : memref<8x16x768xf32, #tpu.memory_space<vmem>> -> memref<1x16x768xf32, #tpu.memory_space<vmem>>
    %dma_start3A_153 = tpu.memref_squeeze %dma_start3A_152 : memref<1x16x768xf32, #tpu.memory_space<vmem>> -> memref<16x768xf32, #tpu.memory_space<vmem>>
    tpu.enqueue_dma source(%dma_start3A_153 : memref<16x768xf32, #tpu.memory_space<vmem>>) target(%dma_start3A_149 : memref<16x768xf32, #tpu.memory_space<hbm>>) target_semaphore(%arg8 : memref<!tpu.dma_semaphore, #tpu.memory_space<semaphore_mem>>)
    %dma_wait3A_154 = arith.constant 1 : i32
    %dma_wait3A_155 = arith.constant 0 : i32
    %dma_wait3A_156 = arith.constant 0 : i32
    %dma_wait3A_157 = tpu.memref_slice %arg6[%dma_wait3A_154, %dma_wait3A_155, %dma_wait3A_156] : memref<8x16x768xf32, #tpu.memory_space<vmem>> -> memref<1x16x768xf32, #tpu.memory_space<vmem>>
    %dma_wait3A_158 = tpu.memref_squeeze %dma_wait3A_157 : memref<1x16x768xf32, #tpu.memory_space<vmem>> -> memref<16x768xf32, #tpu.memory_space<vmem>>
    %dma_wait3A_159 = arith.constant 0 : i32
    %dma_wait3A_160 = tpu.memref_slice %arg4[%add3A_140, %dma_wait3A_159] : memref<8192x768xf32, #tpu.memory_space<hbm>> -> memref<16x768xf32, #tpu.memory_space<hbm>>
    %dma_wait3A_161 = arith.constant 0 : i32
    %dma_wait3A_162 = tpu.memref_slice %arg4[%add3A_140, %dma_wait3A_161] : memref<8192x768xf32, #tpu.memory_space<hbm>> -> memref<16x768xf32, #tpu.memory_space<hbm>>
    %dma_wait3A_163 = arith.constant 0 : i32
    %dma_wait3A_164 = arith.constant 0 : i32
    %dma_wait3A_165 = tpu.memref_slice %arg6[%dma_wait3A_154, %dma_wait3A_163, %dma_wait3A_164] : memref<8x16x768xf32, #tpu.memory_space<vmem>> -> memref<1x16x768xf32, #tpu.memory_space<vmem>>
    %dma_wait3A_166 = tpu.memref_squeeze %dma_wait3A_165 : memref<1x16x768xf32, #tpu.memory_space<vmem>> -> memref<16x768xf32, #tpu.memory_space<vmem>>
    tpu.wait_dma2 semaphore(%arg8 : memref<!tpu.dma_semaphore, #tpu.memory_space<semaphore_mem>>) src(%dma_wait3A_166 : memref<16x768xf32, #tpu.memory_space<vmem>>) dst(%dma_wait3A_162 : memref<16x768xf32, #tpu.memory_space<hbm>>)
    %dma_start3A_167 = arith.constant 1 : i32
    %dma_start3A_168 = arith.constant 0 : i32
    %dma_start3A_169 = arith.constant 0 : i32
    %dma_start3A_170 = tpu.memref_slice %arg6[%dma_start3A_167, %dma_start3A_168, %dma_start3A_169] : memref<8x16x768xf32, #tpu.memory_space<vmem>> -> memref<1x16x768xf32, #tpu.memory_space<vmem>>
    %dma_start3A_171 = tpu.memref_squeeze %dma_start3A_170 : memref<1x16x768xf32, #tpu.memory_space<vmem>> -> memref<16x768xf32, #tpu.memory_space<vmem>>
    %dma_start3A_172 = arith.constant 144 : i32
    %dma_start3A_173 = tpu.memref_slice %arg5[%dma_start3A_172] : memref<256xi32, #tpu.memory_space<vmem>> -> memref<16xi32, #tpu.memory_space<vmem>>
    %dma_start3A_174 = arith.constant 0 : i32
    %dma_start3A_175 = arith.constant 0 : i32
    %dma_start3A_176 = tpu.memref_slice %arg3[%dma_start3A_174, %dma_start3A_175] : memref<100000x768xf32, #tpu.memory_space<hbm>> -> memref<100000x768xf32, #tpu.memory_space<hbm>>
    tpu.enqueue_indirect_dma source(%dma_start3A_176 : memref<100000x768xf32, #tpu.memory_space<hbm>>) target(%dma_start3A_171 : memref<16x768xf32, #tpu.memory_space<vmem>>) offsets(%dma_start3A_173 : memref<16xi32, #tpu.memory_space<vmem>>) semaphore(%arg7 : memref<!tpu.dma_semaphore, #tpu.memory_space<semaphore_mem>>)
    %dma_wait3A_177 = arith.constant 2 : i32
    %dma_wait3A_178 = arith.constant 0 : i32
    %dma_wait3A_179 = arith.constant 0 : i32
    %dma_wait3A_180 = tpu.memref_slice %arg6[%dma_wait3A_177, %dma_wait3A_178, %dma_wait3A_179] : memref<8x16x768xf32, #tpu.memory_space<vmem>> -> memref<1x16x768xf32, #tpu.memory_space<vmem>>
    %dma_wait3A_181 = tpu.memref_squeeze %dma_wait3A_180 : memref<1x16x768xf32, #tpu.memory_space<vmem>> -> memref<16x768xf32, #tpu.memory_space<vmem>>
    %dma_wait3A_182 = arith.constant 32 : i32
    %dma_wait3A_183 = tpu.memref_slice %arg5[%dma_wait3A_182] : memref<256xi32, #tpu.memory_space<vmem>> -> memref<16xi32, #tpu.memory_space<vmem>>
    %dma_wait3A_184 = arith.constant 0 : i32
    %dma_wait3A_185 = arith.constant 0 : i32
    %dma_wait3A_186 = tpu.memref_slice %arg3[%dma_wait3A_184, %dma_wait3A_185] : memref<100000x768xf32, #tpu.memory_space<hbm>> -> memref<100000x768xf32, #tpu.memory_space<hbm>>
    tpu.wait_indirect_dma semaphore(%arg7 : memref<!tpu.dma_semaphore, #tpu.memory_space<semaphore_mem>>) src(%dma_wait3A_186 : memref<100000x768xf32, #tpu.memory_space<hbm>>) dst(%dma_wait3A_181 : memref<16x768xf32, #tpu.memory_space<vmem>>)
    %add3A_187 = arith.constant 32 : i32
    %add3A_188 = arith.addi %mul3A_2, %add3A_187 : i32
    %dma_start3A_189 = arith.constant 2 : i32
    %dma_start3A_190 = arith.constant 0 : i32
    %dma_start3A_191 = arith.constant 0 : i32
    %dma_start3A_192 = tpu.memref_slice %arg6[%dma_start3A_189, %dma_start3A_190, %dma_start3A_191] : memref<8x16x768xf32, #tpu.memory_space<vmem>> -> memref<1x16x768xf32, #tpu.memory_space<vmem>>
    %dma_start3A_193 = tpu.memref_squeeze %dma_start3A_192 : memref<1x16x768xf32, #tpu.memory_space<vmem>> -> memref<16x768xf32, #tpu.memory_space<vmem>>
    %dma_start3A_194 = arith.constant 0 : i32
    %dma_start3A_195 = tpu.memref_slice %arg4[%add3A_188, %dma_start3A_194] : memref<8192x768xf32, #tpu.memory_space<hbm>> -> memref<16x768xf32, #tpu.memory_space<hbm>>
    %dma_start3A_196 = arith.constant 0 : i32
    %dma_start3A_197 = tpu.memref_slice %arg4[%add3A_188, %dma_start3A_196] : memref<8192x768xf32, #tpu.memory_space<hbm>> -> memref<16x768xf32, #tpu.memory_space<hbm>>
    %dma_start3A_198 = arith.constant 0 : i32
    %dma_start3A_199 = arith.constant 0 : i32
    %dma_start3A_200 = tpu.memref_slice %arg6[%dma_start3A_189, %dma_start3A_198, %dma_start3A_199] : memref<8x16x768xf32, #tpu.memory_space<vmem>> -> memref<1x16x768xf32, #tpu.memory_space<vmem>>
    %dma_start3A_201 = tpu.memref_squeeze %dma_start3A_200 : memref<1x16x768xf32, #tpu.memory_space<vmem>> -> memref<16x768xf32, #tpu.memory_space<vmem>>
    tpu.enqueue_dma source(%dma_start3A_201 : memref<16x768xf32, #tpu.memory_space<vmem>>) target(%dma_start3A_197 : memref<16x768xf32, #tpu.memory_space<hbm>>) target_semaphore(%arg8 : memref<!tpu.dma_semaphore, #tpu.memory_space<semaphore_mem>>)
    %dma_wait3A_202 = arith.constant 2 : i32
    %dma_wait3A_203 = arith.constant 0 : i32
    %dma_wait3A_204 = arith.constant 0 : i32
    %dma_wait3A_205 = tpu.memref_slice %arg6[%dma_wait3A_202, %dma_wait3A_203, %dma_wait3A_204] : memref<8x16x768xf32, #tpu.memory_space<vmem>> -> memref<1x16x768xf32, #tpu.memory_space<vmem>>
    %dma_wait3A_206 = tpu.memref_squeeze %dma_wait3A_205 : memref<1x16x768xf32, #tpu.memory_space<vmem>> -> memref<16x768xf32, #tpu.memory_space<vmem>>
    %dma_wait3A_207 = arith.constant 0 : i32
    %dma_wait3A_208 = tpu.memref_slice %arg4[%add3A_188, %dma_wait3A_207] : memref<8192x768xf32, #tpu.memory_space<hbm>> -> memref<16x768xf32, #tpu.memory_space<hbm>>
    %dma_wait3A_209 = arith.constant 0 : i32
    %dma_wait3A_210 = tpu.memref_slice %arg4[%add3A_188, %dma_wait3A_209] : memref<8192x768xf32, #tpu.memory_space<hbm>> -> memref<16x768xf32, #tpu.memory_space<hbm>>
    %dma_wait3A_211 = arith.constant 0 : i32
    %dma_wait3A_212 = arith.constant 0 : i32
    %dma_wait3A_213 = tpu.memref_slice %arg6[%dma_wait3A_202, %dma_wait3A_211, %dma_wait3A_212] : memref<8x16x768xf32, #tpu.memory_space<vmem>> -> memref<1x16x768xf32, #tpu.memory_space<vmem>>
    %dma_wait3A_214 = tpu.memref_squeeze %dma_wait3A_213 : memref<1x16x768xf32, #tpu.memory_space<vmem>> -> memref<16x768xf32, #tpu.memory_space<vmem>>
    tpu.wait_dma2 semaphore(%arg8 : memref<!tpu.dma_semaphore, #tpu.memory_space<semaphore_mem>>) src(%dma_wait3A_214 : memref<16x768xf32, #tpu.memory_space<vmem>>) dst(%dma_wait3A_210 : memref<16x768xf32, #tpu.memory_space<hbm>>)
    %dma_start3A_215 = arith.constant 2 : i32
    %dma_start3A_216 = arith.constant 0 : i32
    %dma_start3A_217 = arith.constant 0 : i32
    %dma_start3A_218 = tpu.memref_slice %arg6[%dma_start3A_215, %dma_start3A_216, %dma_start3A_217] : memref<8x16x768xf32, #tpu.memory_space<vmem>> -> memref<1x16x768xf32, #tpu.memory_space<vmem>>
    %dma_start3A_219 = tpu.memref_squeeze %dma_start3A_218 : memref<1x16x768xf32, #tpu.memory_space<vmem>> -> memref<16x768xf32, #tpu.memory_space<vmem>>
    %dma_start3A_220 = arith.constant 160 : i32
    %dma_start3A_221 = tpu.memref_slice %arg5[%dma_start3A_220] : memref<256xi32, #tpu.memory_space<vmem>> -> memref<16xi32, #tpu.memory_space<vmem>>
    %dma_start3A_222 = arith.constant 0 : i32
    %dma_start3A_223 = arith.constant 0 : i32
    %dma_start3A_224 = tpu.memref_slice %arg3[%dma_start3A_222, %dma_start3A_223] : memref<100000x768xf32, #tpu.memory_space<hbm>> -> memref<100000x768xf32, #tpu.memory_space<hbm>>
    tpu.enqueue_indirect_dma source(%dma_start3A_224 : memref<100000x768xf32, #tpu.memory_space<hbm>>) target(%dma_start3A_219 : memref<16x768xf32, #tpu.memory_space<vmem>>) offsets(%dma_start3A_221 : memref<16xi32, #tpu.memory_space<vmem>>) semaphore(%arg7 : memref<!tpu.dma_semaphore, #tpu.memory_space<semaphore_mem>>)
    %dma_wait3A_225 = arith.constant 3 : i32
    %dma_wait3A_226 = arith.constant 0 : i32
    %dma_wait3A_227 = arith.constant 0 : i32
    %dma_wait3A_228 = tpu.memref_slice %arg6[%dma_wait3A_225, %dma_wait3A_226, %dma_wait3A_227] : memref<8x16x768xf32, #tpu.memory_space<vmem>> -> memref<1x16x768xf32, #tpu.memory_space<vmem>>
    %dma_wait3A_229 = tpu.memref_squeeze %dma_wait3A_228 : memref<1x16x768xf32, #tpu.memory_space<vmem>> -> memref<16x768xf32, #tpu.memory_space<vmem>>
    %dma_wait3A_230 = arith.constant 48 : i32
    %dma_wait3A_231 = tpu.memref_slice %arg5[%dma_wait3A_230] : memref<256xi32, #tpu.memory_space<vmem>> -> memref<16xi32, #tpu.memory_space<vmem>>
    %dma_wait3A_232 = arith.constant 0 : i32
    %dma_wait3A_233 = arith.constant 0 : i32
    %dma_wait3A_234 = tpu.memref_slice %arg3[%dma_wait3A_232, %dma_wait3A_233] : memref<100000x768xf32, #tpu.memory_space<hbm>> -> memref<100000x768xf32, #tpu.memory_space<hbm>>
    tpu.wait_indirect_dma semaphore(%arg7 : memref<!tpu.dma_semaphore, #tpu.memory_space<semaphore_mem>>) src(%dma_wait3A_234 : memref<100000x768xf32, #tpu.memory_space<hbm>>) dst(%dma_wait3A_229 : memref<16x768xf32, #tpu.memory_space<vmem>>)
    %add3A_235 = arith.constant 48 : i32
    %add3A_236 = arith.addi %mul3A_2, %add3A_235 : i32
    %dma_start3A_237 = arith.constant 3 : i32
    %dma_start3A_238 = arith.constant 0 : i32
    %dma_start3A_239 = arith.constant 0 : i32
    %dma_start3A_240 = tpu.memref_slice %arg6[%dma_start3A_237, %dma_start3A_238, %dma_start3A_239] : memref<8x16x768xf32, #tpu.memory_space<vmem>> -> memref<1x16x768xf32, #tpu.memory_space<vmem>>
    %dma_start3A_241 = tpu.memref_squeeze %dma_start3A_240 : memref<1x16x768xf32, #tpu.memory_space<vmem>> -> memref<16x768xf32, #tpu.memory_space<vmem>>
    %dma_start3A_242 = arith.constant 0 : i32
    %dma_start3A_243 = tpu.memref_slice %arg4[%add3A_236, %dma_start3A_242] : memref<8192x768xf32, #tpu.memory_space<hbm>> -> memref<16x768xf32, #tpu.memory_space<hbm>>
    %dma_start3A_244 = arith.constant 0 : i32
    %dma_start3A_245 = tpu.memref_slice %arg4[%add3A_236, %dma_start3A_244] : memref<8192x768xf32, #tpu.memory_space<hbm>> -> memref<16x768xf32, #tpu.memory_space<hbm>>
    %dma_start3A_246 = arith.constant 0 : i32
    %dma_start3A_247 = arith.constant 0 : i32
    %dma_start3A_248 = tpu.memref_slice %arg6[%dma_start3A_237, %dma_start3A_246, %dma_start3A_247] : memref<8x16x768xf32, #tpu.memory_space<vmem>> -> memref<1x16x768xf32, #tpu.memory_space<vmem>>
    %dma_start3A_249 = tpu.memref_squeeze %dma_start3A_248 : memref<1x16x768xf32, #tpu.memory_space<vmem>> -> memref<16x768xf32, #tpu.memory_space<vmem>>
    tpu.enqueue_dma source(%dma_start3A_249 : memref<16x768xf32, #tpu.memory_space<vmem>>) target(%dma_start3A_245 : memref<16x768xf32, #tpu.memory_space<hbm>>) target_semaphore(%arg8 : memref<!tpu.dma_semaphore, #tpu.memory_space<semaphore_mem>>)
    %dma_wait3A_250 = arith.constant 3 : i32
    %dma_wait3A_251 = arith.constant 0 : i32
    %dma_wait3A_252 = arith.constant 0 : i32
    %dma_wait3A_253 = tpu.memref_slice %arg6[%dma_wait3A_250, %dma_wait3A_251, %dma_wait3A_252] : memref<8x16x768xf32, #tpu.memory_space<vmem>> -> memref<1x16x768xf32, #tpu.memory_space<vmem>>
    %dma_wait3A_254 = tpu.memref_squeeze %dma_wait3A_253 : memref<1x16x768xf32, #tpu.memory_space<vmem>> -> memref<16x768xf32, #tpu.memory_space<vmem>>
    %dma_wait3A_255 = arith.constant 0 : i32
    %dma_wait3A_256 = tpu.memref_slice %arg4[%add3A_236, %dma_wait3A_255] : memref<8192x768xf32, #tpu.memory_space<hbm>> -> memref<16x768xf32, #tpu.memory_space<hbm>>
    %dma_wait3A_257 = arith.constant 0 : i32
    %dma_wait3A_258 = tpu.memref_slice %arg4[%add3A_236, %dma_wait3A_257] : memref<8192x768xf32, #tpu.memory_space<hbm>> -> memref<16x768xf32, #tpu.memory_space<hbm>>
    %dma_wait3A_259 = arith.constant 0 : i32
    %dma_wait3A_260 = arith.constant 0 : i32
    %dma_wait3A_261 = tpu.memref_slice %arg6[%dma_wait3A_250, %dma_wait3A_259, %dma_wait3A_260] : memref<8x16x768xf32, #tpu.memory_space<vmem>> -> memref<1x16x768xf32, #tpu.memory_space<vmem>>
    %dma_wait3A_262 = tpu.memref_squeeze %dma_wait3A_261 : memref<1x16x768xf32, #tpu.memory_space<vmem>> -> memref<16x768xf32, #tpu.memory_space<vmem>>
    tpu.wait_dma2 semaphore(%arg8 : memref<!tpu.dma_semaphore, #tpu.memory_space<semaphore_mem>>) src(%dma_wait3A_262 : memref<16x768xf32, #tpu.memory_space<vmem>>) dst(%dma_wait3A_258 : memref<16x768xf32, #tpu.memory_space<hbm>>)
    %dma_start3A_263 = arith.constant 3 : i32
    %dma_start3A_264 = arith.constant 0 : i32
    %dma_start3A_265 = arith.constant 0 : i32
    %dma_start3A_266 = tpu.memref_slice %arg6[%dma_start3A_263, %dma_start3A_264, %dma_start3A_265] : memref<8x16x768xf32, #tpu.memory_space<vmem>> -> memref<1x16x768xf32, #tpu.memory_space<vmem>>
    %dma_start3A_267 = tpu.memref_squeeze %dma_start3A_266 : memref<1x16x768xf32, #tpu.memory_space<vmem>> -> memref<16x768xf32, #tpu.memory_space<vmem>>
    %dma_start3A_268 = arith.constant 176 : i32
    %dma_start3A_269 = tpu.memref_slice %arg5[%dma_start3A_268] : memref<256xi32, #tpu.memory_space<vmem>> -> memref<16xi32, #tpu.memory_space<vmem>>
    %dma_start3A_270 = arith.constant 0 : i32
    %dma_start3A_271 = arith.constant 0 : i32
    %dma_start3A_272 = tpu.memref_slice %arg3[%dma_start3A_270, %dma_start3A_271] : memref<100000x768xf32, #tpu.memory_space<hbm>> -> memref<100000x768xf32, #tpu.memory_space<hbm>>
    tpu.enqueue_indirect_dma source(%dma_start3A_272 : memref<100000x768xf32, #tpu.memory_space<hbm>>) target(%dma_start3A_267 : memref<16x768xf32, #tpu.memory_space<vmem>>) offsets(%dma_start3A_269 : memref<16xi32, #tpu.memory_space<vmem>>) semaphore(%arg7 : memref<!tpu.dma_semaphore, #tpu.memory_space<semaphore_mem>>)
    %dma_wait3A_273 = arith.constant 4 : i32
    %dma_wait3A_274 = arith.constant 0 : i32
    %dma_wait3A_275 = arith.constant 0 : i32
    %dma_wait3A_276 = tpu.memref_slice %arg6[%dma_wait3A_273, %dma_wait3A_274, %dma_wait3A_275] : memref<8x16x768xf32, #tpu.memory_space<vmem>> -> memref<1x16x768xf32, #tpu.memory_space<vmem>>
    %dma_wait3A_277 = tpu.memref_squeeze %dma_wait3A_276 : memref<1x16x768xf32, #tpu.memory_space<vmem>> -> memref<16x768xf32, #tpu.memory_space<vmem>>
    %dma_wait3A_278 = arith.constant 64 : i32
    %dma_wait3A_279 = tpu.memref_slice %arg5[%dma_wait3A_278] : memref<256xi32, #tpu.memory_space<vmem>> -> memref<16xi32, #tpu.memory_space<vmem>>
    %dma_wait3A_280 = arith.constant 0 : i32
    %dma_wait3A_281 = arith.constant 0 : i32
    %dma_wait3A_282 = tpu.memref_slice %arg3[%dma_wait3A_280, %dma_wait3A_281] : memref<100000x768xf32, #tpu.memory_space<hbm>> -> memref<100000x768xf32, #tpu.memory_space<hbm>>
    tpu.wait_indirect_dma semaphore(%arg7 : memref<!tpu.dma_semaphore, #tpu.memory_space<semaphore_mem>>) src(%dma_wait3A_282 : memref<100000x768xf32, #tpu.memory_space<hbm>>) dst(%dma_wait3A_277 : memref<16x768xf32, #tpu.memory_space<vmem>>)
    %add3A_283 = arith.constant 64 : i32
    %add3A_284 = arith.addi %mul3A_2, %add3A_283 : i32
    %dma_start3A_285 = arith.constant 4 : i32
    %dma_start3A_286 = arith.constant 0 : i32
    %dma_start3A_287 = arith.constant 0 : i32
    %dma_start3A_288 = tpu.memref_slice %arg6[%dma_start3A_285, %dma_start3A_286, %dma_start3A_287] : memref<8x16x768xf32, #tpu.memory_space<vmem>> -> memref<1x16x768xf32, #tpu.memory_space<vmem>>
    %dma_start3A_289 = tpu.memref_squeeze %dma_start3A_288 : memref<1x16x768xf32, #tpu.memory_space<vmem>> -> memref<16x768xf32, #tpu.memory_space<vmem>>
    %dma_start3A_290 = arith.constant 0 : i32
    %dma_start3A_291 = tpu.memref_slice %arg4[%add3A_284, %dma_start3A_290] : memref<8192x768xf32, #tpu.memory_space<hbm>> -> memref<16x768xf32, #tpu.memory_space<hbm>>
    %dma_start3A_292 = arith.constant 0 : i32
    %dma_start3A_293 = tpu.memref_slice %arg4[%add3A_284, %dma_start3A_292] : memref<8192x768xf32, #tpu.memory_space<hbm>> -> memref<16x768xf32, #tpu.memory_space<hbm>>
    %dma_start3A_294 = arith.constant 0 : i32
    %dma_start3A_295 = arith.constant 0 : i32
    %dma_start3A_296 = tpu.memref_slice %arg6[%dma_start3A_285, %dma_start3A_294, %dma_start3A_295] : memref<8x16x768xf32, #tpu.memory_space<vmem>> -> memref<1x16x768xf32, #tpu.memory_space<vmem>>
    %dma_start3A_297 = tpu.memref_squeeze %dma_start3A_296 : memref<1x16x768xf32, #tpu.memory_space<vmem>> -> memref<16x768xf32, #tpu.memory_space<vmem>>
    tpu.enqueue_dma source(%dma_start3A_297 : memref<16x768xf32, #tpu.memory_space<vmem>>) target(%dma_start3A_293 : memref<16x768xf32, #tpu.memory_space<hbm>>) target_semaphore(%arg8 : memref<!tpu.dma_semaphore, #tpu.memory_space<semaphore_mem>>)
    %dma_wait3A_298 = arith.constant 4 : i32
    %dma_wait3A_299 = arith.constant 0 : i32
    %dma_wait3A_300 = arith.constant 0 : i32
    %dma_wait3A_301 = tpu.memref_slice %arg6[%dma_wait3A_298, %dma_wait3A_299, %dma_wait3A_300] : memref<8x16x768xf32, #tpu.memory_space<vmem>> -> memref<1x16x768xf32, #tpu.memory_space<vmem>>
    %dma_wait3A_302 = tpu.memref_squeeze %dma_wait3A_301 : memref<1x16x768xf32, #tpu.memory_space<vmem>> -> memref<16x768xf32, #tpu.memory_space<vmem>>
    %dma_wait3A_303 = arith.constant 0 : i32
    %dma_wait3A_304 = tpu.memref_slice %arg4[%add3A_284, %dma_wait3A_303] : memref<8192x768xf32, #tpu.memory_space<hbm>> -> memref<16x768xf32, #tpu.memory_space<hbm>>
    %dma_wait3A_305 = arith.constant 0 : i32
    %dma_wait3A_306 = tpu.memref_slice %arg4[%add3A_284, %dma_wait3A_305] : memref<8192x768xf32, #tpu.memory_space<hbm>> -> memref<16x768xf32, #tpu.memory_space<hbm>>
    %dma_wait3A_307 = arith.constant 0 : i32
    %dma_wait3A_308 = arith.constant 0 : i32
    %dma_wait3A_309 = tpu.memref_slice %arg6[%dma_wait3A_298, %dma_wait3A_307, %dma_wait3A_308] : memref<8x16x768xf32, #tpu.memory_space<vmem>> -> memref<1x16x768xf32, #tpu.memory_space<vmem>>
    %dma_wait3A_310 = tpu.memref_squeeze %dma_wait3A_309 : memref<1x16x768xf32, #tpu.memory_space<vmem>> -> memref<16x768xf32, #tpu.memory_space<vmem>>
    tpu.wait_dma2 semaphore(%arg8 : memref<!tpu.dma_semaphore, #tpu.memory_space<semaphore_mem>>) src(%dma_wait3A_310 : memref<16x768xf32, #tpu.memory_space<vmem>>) dst(%dma_wait3A_306 : memref<16x768xf32, #tpu.memory_space<hbm>>)
    %dma_start3A_311 = arith.constant 4 : i32
    %dma_start3A_312 = arith.constant 0 : i32
    %dma_start3A_313 = arith.constant 0 : i32
    %dma_start3A_314 = tpu.memref_slice %arg6[%dma_start3A_311, %dma_start3A_312, %dma_start3A_313] : memref<8x16x768xf32, #tpu.memory_space<vmem>> -> memref<1x16x768xf32, #tpu.memory_space<vmem>>
    %dma_start3A_315 = tpu.memref_squeeze %dma_start3A_314 : memref<1x16x768xf32, #tpu.memory_space<vmem>> -> memref<16x768xf32, #tpu.memory_space<vmem>>
    %dma_start3A_316 = arith.constant 192 : i32
    %dma_start3A_317 = tpu.memref_slice %arg5[%dma_start3A_316] : memref<256xi32, #tpu.memory_space<vmem>> -> memref<16xi32, #tpu.memory_space<vmem>>
    %dma_start3A_318 = arith.constant 0 : i32
    %dma_start3A_319 = arith.constant 0 : i32
    %dma_start3A_320 = tpu.memref_slice %arg3[%dma_start3A_318, %dma_start3A_319] : memref<100000x768xf32, #tpu.memory_space<hbm>> -> memref<100000x768xf32, #tpu.memory_space<hbm>>
    tpu.enqueue_indirect_dma source(%dma_start3A_320 : memref<100000x768xf32, #tpu.memory_space<hbm>>) target(%dma_start3A_315 : memref<16x768xf32, #tpu.memory_space<vmem>>) offsets(%dma_start3A_317 : memref<16xi32, #tpu.memory_space<vmem>>) semaphore(%arg7 : memref<!tpu.dma_semaphore, #tpu.memory_space<semaphore_mem>>)
    %dma_wait3A_321 = arith.constant 5 : i32
    %dma_wait3A_322 = arith.constant 0 : i32
    %dma_wait3A_323 = arith.constant 0 : i32
    %dma_wait3A_324 = tpu.memref_slice %arg6[%dma_wait3A_321, %dma_wait3A_322, %dma_wait3A_323] : memref<8x16x768xf32, #tpu.memory_space<vmem>> -> memref<1x16x768xf32, #tpu.memory_space<vmem>>
    %dma_wait3A_325 = tpu.memref_squeeze %dma_wait3A_324 : memref<1x16x768xf32, #tpu.memory_space<vmem>> -> memref<16x768xf32, #tpu.memory_space<vmem>>
    %dma_wait3A_326 = arith.constant 80 : i32
    %dma_wait3A_327 = tpu.memref_slice %arg5[%dma_wait3A_326] : memref<256xi32, #tpu.memory_space<vmem>> -> memref<16xi32, #tpu.memory_space<vmem>>
    %dma_wait3A_328 = arith.constant 0 : i32
    %dma_wait3A_329 = arith.constant 0 : i32
    %dma_wait3A_330 = tpu.memref_slice %arg3[%dma_wait3A_328, %dma_wait3A_329] : memref<100000x768xf32, #tpu.memory_space<hbm>> -> memref<100000x768xf32, #tpu.memory_space<hbm>>
    tpu.wait_indirect_dma semaphore(%arg7 : memref<!tpu.dma_semaphore, #tpu.memory_space<semaphore_mem>>) src(%dma_wait3A_330 : memref<100000x768xf32, #tpu.memory_space<hbm>>) dst(%dma_wait3A_325 : memref<16x768xf32, #tpu.memory_space<vmem>>)
    %add3A_331 = arith.constant 80 : i32
    %add3A_332 = arith.addi %mul3A_2, %add3A_331 : i32
    %dma_start3A_333 = arith.constant 5 : i32
    %dma_start3A_334 = arith.constant 0 : i32
    %dma_start3A_335 = arith.constant 0 : i32
    %dma_start3A_336 = tpu.memref_slice %arg6[%dma_start3A_333, %dma_start3A_334, %dma_start3A_335] : memref<8x16x768xf32, #tpu.memory_space<vmem>> -> memref<1x16x768xf32, #tpu.memory_space<vmem>>
    %dma_start3A_337 = tpu.memref_squeeze %dma_start3A_336 : memref<1x16x768xf32, #tpu.memory_space<vmem>> -> memref<16x768xf32, #tpu.memory_space<vmem>>
    %dma_start3A_338 = arith.constant 0 : i32
    %dma_start3A_339 = tpu.memref_slice %arg4[%add3A_332, %dma_start3A_338] : memref<8192x768xf32, #tpu.memory_space<hbm>> -> memref<16x768xf32, #tpu.memory_space<hbm>>
    %dma_start3A_340 = arith.constant 0 : i32
    %dma_start3A_341 = tpu.memref_slice %arg4[%add3A_332, %dma_start3A_340] : memref<8192x768xf32, #tpu.memory_space<hbm>> -> memref<16x768xf32, #tpu.memory_space<hbm>>
    %dma_start3A_342 = arith.constant 0 : i32
    %dma_start3A_343 = arith.constant 0 : i32
    %dma_start3A_344 = tpu.memref_slice %arg6[%dma_start3A_333, %dma_start3A_342, %dma_start3A_343] : memref<8x16x768xf32, #tpu.memory_space<vmem>> -> memref<1x16x768xf32, #tpu.memory_space<vmem>>
    %dma_start3A_345 = tpu.memref_squeeze %dma_start3A_344 : memref<1x16x768xf32, #tpu.memory_space<vmem>> -> memref<16x768xf32, #tpu.memory_space<vmem>>
    tpu.enqueue_dma source(%dma_start3A_345 : memref<16x768xf32, #tpu.memory_space<vmem>>) target(%dma_start3A_341 : memref<16x768xf32, #tpu.memory_space<hbm>>) target_semaphore(%arg8 : memref<!tpu.dma_semaphore, #tpu.memory_space<semaphore_mem>>)
    %dma_wait3A_346 = arith.constant 5 : i32
    %dma_wait3A_347 = arith.constant 0 : i32
    %dma_wait3A_348 = arith.constant 0 : i32
    %dma_wait3A_349 = tpu.memref_slice %arg6[%dma_wait3A_346, %dma_wait3A_347, %dma_wait3A_348] : memref<8x16x768xf32, #tpu.memory_space<vmem>> -> memref<1x16x768xf32, #tpu.memory_space<vmem>>
    %dma_wait3A_350 = tpu.memref_squeeze %dma_wait3A_349 : memref<1x16x768xf32, #tpu.memory_space<vmem>> -> memref<16x768xf32, #tpu.memory_space<vmem>>
    %dma_wait3A_351 = arith.constant 0 : i32
    %dma_wait3A_352 = tpu.memref_slice %arg4[%add3A_332, %dma_wait3A_351] : memref<8192x768xf32, #tpu.memory_space<hbm>> -> memref<16x768xf32, #tpu.memory_space<hbm>>
    %dma_wait3A_353 = arith.constant 0 : i32
    %dma_wait3A_354 = tpu.memref_slice %arg4[%add3A_332, %dma_wait3A_353] : memref<8192x768xf32, #tpu.memory_space<hbm>> -> memref<16x768xf32, #tpu.memory_space<hbm>>
    %dma_wait3A_355 = arith.constant 0 : i32
    %dma_wait3A_356 = arith.constant 0 : i32
    %dma_wait3A_357 = tpu.memref_slice %arg6[%dma_wait3A_346, %dma_wait3A_355, %dma_wait3A_356] : memref<8x16x768xf32, #tpu.memory_space<vmem>> -> memref<1x16x768xf32, #tpu.memory_space<vmem>>
    %dma_wait3A_358 = tpu.memref_squeeze %dma_wait3A_357 : memref<1x16x768xf32, #tpu.memory_space<vmem>> -> memref<16x768xf32, #tpu.memory_space<vmem>>
    tpu.wait_dma2 semaphore(%arg8 : memref<!tpu.dma_semaphore, #tpu.memory_space<semaphore_mem>>) src(%dma_wait3A_358 : memref<16x768xf32, #tpu.memory_space<vmem>>) dst(%dma_wait3A_354 : memref<16x768xf32, #tpu.memory_space<hbm>>)
    %dma_start3A_359 = arith.constant 5 : i32
    %dma_start3A_360 = arith.constant 0 : i32
    %dma_start3A_361 = arith.constant 0 : i32
    %dma_start3A_362 = tpu.memref_slice %arg6[%dma_start3A_359, %dma_start3A_360, %dma_start3A_361] : memref<8x16x768xf32, #tpu.memory_space<vmem>> -> memref<1x16x768xf32, #tpu.memory_space<vmem>>
    %dma_start3A_363 = tpu.memref_squeeze %dma_start3A_362 : memref<1x16x768xf32, #tpu.memory_space<vmem>> -> memref<16x768xf32, #tpu.memory_space<vmem>>
    %dma_start3A_364 = arith.constant 208 : i32
    %dma_start3A_365 = tpu.memref_slice %arg5[%dma_start3A_364] : memref<256xi32, #tpu.memory_space<vmem>> -> memref<16xi32, #tpu.memory_space<vmem>>
    %dma_start3A_366 = arith.constant 0 : i32
    %dma_start3A_367 = arith.constant 0 : i32
    %dma_start3A_368 = tpu.memref_slice %arg3[%dma_start3A_366, %dma_start3A_367] : memref<100000x768xf32, #tpu.memory_space<hbm>> -> memref<100000x768xf32, #tpu.memory_space<hbm>>
    tpu.enqueue_indirect_dma source(%dma_start3A_368 : memref<100000x768xf32, #tpu.memory_space<hbm>>) target(%dma_start3A_363 : memref<16x768xf32, #tpu.memory_space<vmem>>) offsets(%dma_start3A_365 : memref<16xi32, #tpu.memory_space<vmem>>) semaphore(%arg7 : memref<!tpu.dma_semaphore, #tpu.memory_space<semaphore_mem>>)
    %dma_wait3A_369 = arith.constant 6 : i32
    %dma_wait3A_370 = arith.constant 0 : i32
    %dma_wait3A_371 = arith.constant 0 : i32
    %dma_wait3A_372 = tpu.memref_slice %arg6[%dma_wait3A_369, %dma_wait3A_370, %dma_wait3A_371] : memref<8x16x768xf32, #tpu.memory_space<vmem>> -> memref<1x16x768xf32, #tpu.memory_space<vmem>>
    %dma_wait3A_373 = tpu.memref_squeeze %dma_wait3A_372 : memref<1x16x768xf32, #tpu.memory_space<vmem>> -> memref<16x768xf32, #tpu.memory_space<vmem>>
    %dma_wait3A_374 = arith.constant 96 : i32
    %dma_wait3A_375 = tpu.memref_slice %arg5[%dma_wait3A_374] : memref<256xi32, #tpu.memory_space<vmem>> -> memref<16xi32, #tpu.memory_space<vmem>>
    %dma_wait3A_376 = arith.constant 0 : i32
    %dma_wait3A_377 = arith.constant 0 : i32
    %dma_wait3A_378 = tpu.memref_slice %arg3[%dma_wait3A_376, %dma_wait3A_377] : memref<100000x768xf32, #tpu.memory_space<hbm>> -> memref<100000x768xf32, #tpu.memory_space<hbm>>
    tpu.wait_indirect_dma semaphore(%arg7 : memref<!tpu.dma_semaphore, #tpu.memory_space<semaphore_mem>>) src(%dma_wait3A_378 : memref<100000x768xf32, #tpu.memory_space<hbm>>) dst(%dma_wait3A_373 : memref<16x768xf32, #tpu.memory_space<vmem>>)
    %add3A_379 = arith.constant 96 : i32
    %add3A_380 = arith.addi %mul3A_2, %add3A_379 : i32
    %dma_start3A_381 = arith.constant 6 : i32
    %dma_start3A_382 = arith.constant 0 : i32
    %dma_start3A_383 = arith.constant 0 : i32
    %dma_start3A_384 = tpu.memref_slice %arg6[%dma_start3A_381, %dma_start3A_382, %dma_start3A_383] : memref<8x16x768xf32, #tpu.memory_space<vmem>> -> memref<1x16x768xf32, #tpu.memory_space<vmem>>
    %dma_start3A_385 = tpu.memref_squeeze %dma_start3A_384 : memref<1x16x768xf32, #tpu.memory_space<vmem>> -> memref<16x768xf32, #tpu.memory_space<vmem>>
    %dma_start3A_386 = arith.constant 0 : i32
    %dma_start3A_387 = tpu.memref_slice %arg4[%add3A_380, %dma_start3A_386] : memref<8192x768xf32, #tpu.memory_space<hbm>> -> memref<16x768xf32, #tpu.memory_space<hbm>>
    %dma_start3A_388 = arith.constant 0 : i32
    %dma_start3A_389 = tpu.memref_slice %arg4[%add3A_380, %dma_start3A_388] : memref<8192x768xf32, #tpu.memory_space<hbm>> -> memref<16x768xf32, #tpu.memory_space<hbm>>
    %dma_start3A_390 = arith.constant 0 : i32
    %dma_start3A_391 = arith.constant 0 : i32
    %dma_start3A_392 = tpu.memref_slice %arg6[%dma_start3A_381, %dma_start3A_390, %dma_start3A_391] : memref<8x16x768xf32, #tpu.memory_space<vmem>> -> memref<1x16x768xf32, #tpu.memory_space<vmem>>
    %dma_start3A_393 = tpu.memref_squeeze %dma_start3A_392 : memref<1x16x768xf32, #tpu.memory_space<vmem>> -> memref<16x768xf32, #tpu.memory_space<vmem>>
    tpu.enqueue_dma source(%dma_start3A_393 : memref<16x768xf32, #tpu.memory_space<vmem>>) target(%dma_start3A_389 : memref<16x768xf32, #tpu.memory_space<hbm>>) target_semaphore(%arg8 : memref<!tpu.dma_semaphore, #tpu.memory_space<semaphore_mem>>)
    %dma_wait3A_394 = arith.constant 6 : i32
    %dma_wait3A_395 = arith.constant 0 : i32
    %dma_wait3A_396 = arith.constant 0 : i32
    %dma_wait3A_397 = tpu.memref_slice %arg6[%dma_wait3A_394, %dma_wait3A_395, %dma_wait3A_396] : memref<8x16x768xf32, #tpu.memory_space<vmem>> -> memref<1x16x768xf32, #tpu.memory_space<vmem>>
    %dma_wait3A_398 = tpu.memref_squeeze %dma_wait3A_397 : memref<1x16x768xf32, #tpu.memory_space<vmem>> -> memref<16x768xf32, #tpu.memory_space<vmem>>
    %dma_wait3A_399 = arith.constant 0 : i32
    %dma_wait3A_400 = tpu.memref_slice %arg4[%add3A_380, %dma_wait3A_399] : memref<8192x768xf32, #tpu.memory_space<hbm>> -> memref<16x768xf32, #tpu.memory_space<hbm>>
    %dma_wait3A_401 = arith.constant 0 : i32
    %dma_wait3A_402 = tpu.memref_slice %arg4[%add3A_380, %dma_wait3A_401] : memref<8192x768xf32, #tpu.memory_space<hbm>> -> memref<16x768xf32, #tpu.memory_space<hbm>>
    %dma_wait3A_403 = arith.constant 0 : i32
    %dma_wait3A_404 = arith.constant 0 : i32
    %dma_wait3A_405 = tpu.memref_slice %arg6[%dma_wait3A_394, %dma_wait3A_403, %dma_wait3A_404] : memref<8x16x768xf32, #tpu.memory_space<vmem>> -> memref<1x16x768xf32, #tpu.memory_space<vmem>>
    %dma_wait3A_406 = tpu.memref_squeeze %dma_wait3A_405 : memref<1x16x768xf32, #tpu.memory_space<vmem>> -> memref<16x768xf32, #tpu.memory_space<vmem>>
    tpu.wait_dma2 semaphore(%arg8 : memref<!tpu.dma_semaphore, #tpu.memory_space<semaphore_mem>>) src(%dma_wait3A_406 : memref<16x768xf32, #tpu.memory_space<vmem>>) dst(%dma_wait3A_402 : memref<16x768xf32, #tpu.memory_space<hbm>>)
    %dma_start3A_407 = arith.constant 6 : i32
    %dma_start3A_408 = arith.constant 0 : i32
    %dma_start3A_409 = arith.constant 0 : i32
    %dma_start3A_410 = tpu.memref_slice %arg6[%dma_start3A_407, %dma_start3A_408, %dma_start3A_409] : memref<8x16x768xf32, #tpu.memory_space<vmem>> -> memref<1x16x768xf32, #tpu.memory_space<vmem>>
    %dma_start3A_411 = tpu.memref_squeeze %dma_start3A_410 : memref<1x16x768xf32, #tpu.memory_space<vmem>> -> memref<16x768xf32, #tpu.memory_space<vmem>>
    %dma_start3A_412 = arith.constant 224 : i32
    %dma_start3A_413 = tpu.memref_slice %arg5[%dma_start3A_412] : memref<256xi32, #tpu.memory_space<vmem>> -> memref<16xi32, #tpu.memory_space<vmem>>
    %dma_start3A_414 = arith.constant 0 : i32
    %dma_start3A_415 = arith.constant 0 : i32
    %dma_start3A_416 = tpu.memref_slice %arg3[%dma_start3A_414, %dma_start3A_415] : memref<100000x768xf32, #tpu.memory_space<hbm>> -> memref<100000x768xf32, #tpu.memory_space<hbm>>
    tpu.enqueue_indirect_dma source(%dma_start3A_416 : memref<100000x768xf32, #tpu.memory_space<hbm>>) target(%dma_start3A_411 : memref<16x768xf32, #tpu.memory_space<vmem>>) offsets(%dma_start3A_413 : memref<16xi32, #tpu.memory_space<vmem>>) semaphore(%arg7 : memref<!tpu.dma_semaphore, #tpu.memory_space<semaphore_mem>>)
    %dma_wait3A_417 = arith.constant 7 : i32
    %dma_wait3A_418 = arith.constant 0 : i32
    %dma_wait3A_419 = arith.constant 0 : i32
    %dma_wait3A_420 = tpu.memref_slice %arg6[%dma_wait3A_417, %dma_wait3A_418, %dma_wait3A_419] : memref<8x16x768xf32, #tpu.memory_space<vmem>> -> memref<1x16x768xf32, #tpu.memory_space<vmem>>
    %dma_wait3A_421 = tpu.memref_squeeze %dma_wait3A_420 : memref<1x16x768xf32, #tpu.memory_space<vmem>> -> memref<16x768xf32, #tpu.memory_space<vmem>>
    %dma_wait3A_422 = arith.constant 112 : i32
    %dma_wait3A_423 = tpu.memref_slice %arg5[%dma_wait3A_422] : memref<256xi32, #tpu.memory_space<vmem>> -> memref<16xi32, #tpu.memory_space<vmem>>
    %dma_wait3A_424 = arith.constant 0 : i32
    %dma_wait3A_425 = arith.constant 0 : i32
    %dma_wait3A_426 = tpu.memref_slice %arg3[%dma_wait3A_424, %dma_wait3A_425] : memref<100000x768xf32, #tpu.memory_space<hbm>> -> memref<100000x768xf32, #tpu.memory_space<hbm>>
    tpu.wait_indirect_dma semaphore(%arg7 : memref<!tpu.dma_semaphore, #tpu.memory_space<semaphore_mem>>) src(%dma_wait3A_426 : memref<100000x768xf32, #tpu.memory_space<hbm>>) dst(%dma_wait3A_421 : memref<16x768xf32, #tpu.memory_space<vmem>>)
    %add3A_427 = arith.constant 112 : i32
    %add3A_428 = arith.addi %mul3A_2, %add3A_427 : i32
    %dma_start3A_429 = arith.constant 7 : i32
    %dma_start3A_430 = arith.constant 0 : i32
    %dma_start3A_431 = arith.constant 0 : i32
    %dma_start3A_432 = tpu.memref_slice %arg6[%dma_start3A_429, %dma_start3A_430, %dma_start3A_431] : memref<8x16x768xf32, #tpu.memory_space<vmem>> -> memref<1x16x768xf32, #tpu.memory_space<vmem>>
    %dma_start3A_433 = tpu.memref_squeeze %dma_start3A_432 : memref<1x16x768xf32, #tpu.memory_space<vmem>> -> memref<16x768xf32, #tpu.memory_space<vmem>>
    %dma_start3A_434 = arith.constant 0 : i32
    %dma_start3A_435 = tpu.memref_slice %arg4[%add3A_428, %dma_start3A_434] : memref<8192x768xf32, #tpu.memory_space<hbm>> -> memref<16x768xf32, #tpu.memory_space<hbm>>
    %dma_start3A_436 = arith.constant 0 : i32
    %dma_start3A_437 = tpu.memref_slice %arg4[%add3A_428, %dma_start3A_436] : memref<8192x768xf32, #tpu.memory_space<hbm>> -> memref<16x768xf32, #tpu.memory_space<hbm>>
    %dma_start3A_438 = arith.constant 0 : i32
    %dma_start3A_439 = arith.constant 0 : i32
    %dma_start3A_440 = tpu.memref_slice %arg6[%dma_start3A_429, %dma_start3A_438, %dma_start3A_439] : memref<8x16x768xf32, #tpu.memory_space<vmem>> -> memref<1x16x768xf32, #tpu.memory_space<vmem>>
    %dma_start3A_441 = tpu.memref_squeeze %dma_start3A_440 : memref<1x16x768xf32, #tpu.memory_space<vmem>> -> memref<16x768xf32, #tpu.memory_space<vmem>>
    tpu.enqueue_dma source(%dma_start3A_441 : memref<16x768xf32, #tpu.memory_space<vmem>>) target(%dma_start3A_437 : memref<16x768xf32, #tpu.memory_space<hbm>>) target_semaphore(%arg8 : memref<!tpu.dma_semaphore, #tpu.memory_space<semaphore_mem>>)
    %dma_wait3A_442 = arith.constant 7 : i32
    %dma_wait3A_443 = arith.constant 0 : i32
    %dma_wait3A_444 = arith.constant 0 : i32
    %dma_wait3A_445 = tpu.memref_slice %arg6[%dma_wait3A_442, %dma_wait3A_443, %dma_wait3A_444] : memref<8x16x768xf32, #tpu.memory_space<vmem>> -> memref<1x16x768xf32, #tpu.memory_space<vmem>>
    %dma_wait3A_446 = tpu.memref_squeeze %dma_wait3A_445 : memref<1x16x768xf32, #tpu.memory_space<vmem>> -> memref<16x768xf32, #tpu.memory_space<vmem>>
    %dma_wait3A_447 = arith.constant 0 : i32
    %dma_wait3A_448 = tpu.memref_slice %arg4[%add3A_428, %dma_wait3A_447] : memref<8192x768xf32, #tpu.memory_space<hbm>> -> memref<16x768xf32, #tpu.memory_space<hbm>>
    %dma_wait3A_449 = arith.constant 0 : i32
    %dma_wait3A_450 = tpu.memref_slice %arg4[%add3A_428, %dma_wait3A_449] : memref<8192x768xf32, #tpu.memory_space<hbm>> -> memref<16x768xf32, #tpu.memory_space<hbm>>
    %dma_wait3A_451 = arith.constant 0 : i32
    %dma_wait3A_452 = arith.constant 0 : i32
    %dma_wait3A_453 = tpu.memref_slice %arg6[%dma_wait3A_442, %dma_wait3A_451, %dma_wait3A_452] : memref<8x16x768xf32, #tpu.memory_space<vmem>> -> memref<1x16x768xf32, #tpu.memory_space<vmem>>
    %dma_wait3A_454 = tpu.memref_squeeze %dma_wait3A_453 : memref<1x16x768xf32, #tpu.memory_space<vmem>> -> memref<16x768xf32, #tpu.memory_space<vmem>>
    tpu.wait_dma2 semaphore(%arg8 : memref<!tpu.dma_semaphore, #tpu.memory_space<semaphore_mem>>) src(%dma_wait3A_454 : memref<16x768xf32, #tpu.memory_space<vmem>>) dst(%dma_wait3A_450 : memref<16x768xf32, #tpu.memory_space<hbm>>)
    %dma_start3A_455 = arith.constant 7 : i32
    %dma_start3A_456 = arith.constant 0 : i32
    %dma_start3A_457 = arith.constant 0 : i32
    %dma_start3A_458 = tpu.memref_slice %arg6[%dma_start3A_455, %dma_start3A_456, %dma_start3A_457] : memref<8x16x768xf32, #tpu.memory_space<vmem>> -> memref<1x16x768xf32, #tpu.memory_space<vmem>>
    %dma_start3A_459 = tpu.memref_squeeze %dma_start3A_458 : memref<1x16x768xf32, #tpu.memory_space<vmem>> -> memref<16x768xf32, #tpu.memory_space<vmem>>
    %dma_start3A_460 = arith.constant 240 : i32
    %dma_start3A_461 = tpu.memref_slice %arg5[%dma_start3A_460] : memref<256xi32, #tpu.memory_space<vmem>> -> memref<16xi32, #tpu.memory_space<vmem>>
    %dma_start3A_462 = arith.constant 0 : i32
    %dma_start3A_463 = arith.constant 0 : i32
    %dma_start3A_464 = tpu.memref_slice %arg3[%dma_start3A_462, %dma_start3A_463] : memref<100000x768xf32, #tpu.memory_space<hbm>> -> memref<100000x768xf32, #tpu.memory_space<hbm>>
    tpu.enqueue_indirect_dma source(%dma_start3A_464 : memref<100000x768xf32, #tpu.memory_space<hbm>>) target(%dma_start3A_459 : memref<16x768xf32, #tpu.memory_space<vmem>>) offsets(%dma_start3A_461 : memref<16xi32, #tpu.memory_space<vmem>>) semaphore(%arg7 : memref<!tpu.dma_semaphore, #tpu.memory_space<semaphore_mem>>)
    %dma_wait3A_465 = arith.constant 0 : i32
    %dma_wait3A_466 = arith.constant 0 : i32
    %dma_wait3A_467 = arith.constant 0 : i32
    %dma_wait3A_468 = tpu.memref_slice %arg6[%dma_wait3A_465, %dma_wait3A_466, %dma_wait3A_467] : memref<8x16x768xf32, #tpu.memory_space<vmem>> -> memref<1x16x768xf32, #tpu.memory_space<vmem>>
    %dma_wait3A_469 = tpu.memref_squeeze %dma_wait3A_468 : memref<1x16x768xf32, #tpu.memory_space<vmem>> -> memref<16x768xf32, #tpu.memory_space<vmem>>
    %dma_wait3A_470 = arith.constant 128 : i32
    %dma_wait3A_471 = tpu.memref_slice %arg5[%dma_wait3A_470] : memref<256xi32, #tpu.memory_space<vmem>> -> memref<16xi32, #tpu.memory_space<vmem>>
    %dma_wait3A_472 = arith.constant 0 : i32
    %dma_wait3A_473 = arith.constant 0 : i32
    %dma_wait3A_474 = tpu.memref_slice %arg3[%dma_wait3A_472, %dma_wait3A_473] : memref<100000x768xf32, #tpu.memory_space<hbm>> -> memref<100000x768xf32, #tpu.memory_space<hbm>>
    tpu.wait_indirect_dma semaphore(%arg7 : memref<!tpu.dma_semaphore, #tpu.memory_space<semaphore_mem>>) src(%dma_wait3A_474 : memref<100000x768xf32, #tpu.memory_space<hbm>>) dst(%dma_wait3A_469 : memref<16x768xf32, #tpu.memory_space<vmem>>)
    %add3A_475 = arith.constant 128 : i32
    %add3A_476 = arith.addi %mul3A_2, %add3A_475 : i32
    %dma_start3A_477 = arith.constant 0 : i32
    %dma_start3A_478 = arith.constant 0 : i32
    %dma_start3A_479 = arith.constant 0 : i32
    %dma_start3A_480 = tpu.memref_slice %arg6[%dma_start3A_477, %dma_start3A_478, %dma_start3A_479] : memref<8x16x768xf32, #tpu.memory_space<vmem>> -> memref<1x16x768xf32, #tpu.memory_space<vmem>>
    %dma_start3A_481 = tpu.memref_squeeze %dma_start3A_480 : memref<1x16x768xf32, #tpu.memory_space<vmem>> -> memref<16x768xf32, #tpu.memory_space<vmem>>
    %dma_start3A_482 = arith.constant 0 : i32
    %dma_start3A_483 = tpu.memref_slice %arg4[%add3A_476, %dma_start3A_482] : memref<8192x768xf32, #tpu.memory_space<hbm>> -> memref<16x768xf32, #tpu.memory_space<hbm>>
    %dma_start3A_484 = arith.constant 0 : i32
    %dma_start3A_485 = tpu.memref_slice %arg4[%add3A_476, %dma_start3A_484] : memref<8192x768xf32, #tpu.memory_space<hbm>> -> memref<16x768xf32, #tpu.memory_space<hbm>>
    %dma_start3A_486 = arith.constant 0 : i32
    %dma_start3A_487 = arith.constant 0 : i32
    %dma_start3A_488 = tpu.memref_slice %arg6[%dma_start3A_477, %dma_start3A_486, %dma_start3A_487] : memref<8x16x768xf32, #tpu.memory_space<vmem>> -> memref<1x16x768xf32, #tpu.memory_space<vmem>>
    %dma_start3A_489 = tpu.memref_squeeze %dma_start3A_488 : memref<1x16x768xf32, #tpu.memory_space<vmem>> -> memref<16x768xf32, #tpu.memory_space<vmem>>
    tpu.enqueue_dma source(%dma_start3A_489 : memref<16x768xf32, #tpu.memory_space<vmem>>) target(%dma_start3A_485 : memref<16x768xf32, #tpu.memory_space<hbm>>) target_semaphore(%arg8 : memref<!tpu.dma_semaphore, #tpu.memory_space<semaphore_mem>>)
    %dma_wait3A_490 = arith.constant 1 : i32
    %dma_wait3A_491 = arith.constant 0 : i32
    %dma_wait3A_492 = arith.constant 0 : i32
    %dma_wait3A_493 = tpu.memref_slice %arg6[%dma_wait3A_490, %dma_wait3A_491, %dma_wait3A_492] : memref<8x16x768xf32, #tpu.memory_space<vmem>> -> memref<1x16x768xf32, #tpu.memory_space<vmem>>
    %dma_wait3A_494 = tpu.memref_squeeze %dma_wait3A_493 : memref<1x16x768xf32, #tpu.memory_space<vmem>> -> memref<16x768xf32, #tpu.memory_space<vmem>>
    %dma_wait3A_495 = arith.constant 144 : i32
    %dma_wait3A_496 = tpu.memref_slice %arg5[%dma_wait3A_495] : memref<256xi32, #tpu.memory_space<vmem>> -> memref<16xi32, #tpu.memory_space<vmem>>
    %dma_wait3A_497 = arith.constant 0 : i32
    %dma_wait3A_498 = arith.constant 0 : i32
    %dma_wait3A_499 = tpu.memref_slice %arg3[%dma_wait3A_497, %dma_wait3A_498] : memref<100000x768xf32, #tpu.memory_space<hbm>> -> memref<100000x768xf32, #tpu.memory_space<hbm>>
    tpu.wait_indirect_dma semaphore(%arg7 : memref<!tpu.dma_semaphore, #tpu.memory_space<semaphore_mem>>) src(%dma_wait3A_499 : memref<100000x768xf32, #tpu.memory_space<hbm>>) dst(%dma_wait3A_494 : memref<16x768xf32, #tpu.memory_space<vmem>>)
    %add3A_500 = arith.constant 144 : i32
    %add3A_501 = arith.addi %mul3A_2, %add3A_500 : i32
    %dma_start3A_502 = arith.constant 1 : i32
    %dma_start3A_503 = arith.constant 0 : i32
    %dma_start3A_504 = arith.constant 0 : i32
    %dma_start3A_505 = tpu.memref_slice %arg6[%dma_start3A_502, %dma_start3A_503, %dma_start3A_504] : memref<8x16x768xf32, #tpu.memory_space<vmem>> -> memref<1x16x768xf32, #tpu.memory_space<vmem>>
    %dma_start3A_506 = tpu.memref_squeeze %dma_start3A_505 : memref<1x16x768xf32, #tpu.memory_space<vmem>> -> memref<16x768xf32, #tpu.memory_space<vmem>>
    %dma_start3A_507 = arith.constant 0 : i32
    %dma_start3A_508 = tpu.memref_slice %arg4[%add3A_501, %dma_start3A_507] : memref<8192x768xf32, #tpu.memory_space<hbm>> -> memref<16x768xf32, #tpu.memory_space<hbm>>
    %dma_start3A_509 = arith.constant 0 : i32
    %dma_start3A_510 = tpu.memref_slice %arg4[%add3A_501, %dma_start3A_509] : memref<8192x768xf32, #tpu.memory_space<hbm>> -> memref<16x768xf32, #tpu.memory_space<hbm>>
    %dma_start3A_511 = arith.constant 0 : i32
    %dma_start3A_512 = arith.constant 0 : i32
    %dma_start3A_513 = tpu.memref_slice %arg6[%dma_start3A_502, %dma_start3A_511, %dma_start3A_512] : memref<8x16x768xf32, #tpu.memory_space<vmem>> -> memref<1x16x768xf32, #tpu.memory_space<vmem>>
    %dma_start3A_514 = tpu.memref_squeeze %dma_start3A_513 : memref<1x16x768xf32, #tpu.memory_space<vmem>> -> memref<16x768xf32, #tpu.memory_space<vmem>>
    tpu.enqueue_dma source(%dma_start3A_514 : memref<16x768xf32, #tpu.memory_space<vmem>>) target(%dma_start3A_510 : memref<16x768xf32, #tpu.memory_space<hbm>>) target_semaphore(%arg8 : memref<!tpu.dma_semaphore, #tpu.memory_space<semaphore_mem>>)
    %dma_wait3A_515 = arith.constant 2 : i32
    %dma_wait3A_516 = arith.constant 0 : i32
    %dma_wait3A_517 = arith.constant 0 : i32
    %dma_wait3A_518 = tpu.memref_slice %arg6[%dma_wait3A_515, %dma_wait3A_516, %dma_wait3A_517] : memref<8x16x768xf32, #tpu.memory_space<vmem>> -> memref<1x16x768xf32, #tpu.memory_space<vmem>>
    %dma_wait3A_519 = tpu.memref_squeeze %dma_wait3A_518 : memref<1x16x768xf32, #tpu.memory_space<vmem>> -> memref<16x768xf32, #tpu.memory_space<vmem>>
    %dma_wait3A_520 = arith.constant 160 : i32
    %dma_wait3A_521 = tpu.memref_slice %arg5[%dma_wait3A_520] : memref<256xi32, #tpu.memory_space<vmem>> -> memref<16xi32, #tpu.memory_space<vmem>>
    %dma_wait3A_522 = arith.constant 0 : i32
    %dma_wait3A_523 = arith.constant 0 : i32
    %dma_wait3A_524 = tpu.memref_slice %arg3[%dma_wait3A_522, %dma_wait3A_523] : memref<100000x768xf32, #tpu.memory_space<hbm>> -> memref<100000x768xf32, #tpu.memory_space<hbm>>
    tpu.wait_indirect_dma semaphore(%arg7 : memref<!tpu.dma_semaphore, #tpu.memory_space<semaphore_mem>>) src(%dma_wait3A_524 : memref<100000x768xf32, #tpu.memory_space<hbm>>) dst(%dma_wait3A_519 : memref<16x768xf32, #tpu.memory_space<vmem>>)
    %add3A_525 = arith.constant 160 : i32
    %add3A_526 = arith.addi %mul3A_2, %add3A_525 : i32
    %dma_start3A_527 = arith.constant 2 : i32
    %dma_start3A_528 = arith.constant 0 : i32
    %dma_start3A_529 = arith.constant 0 : i32
    %dma_start3A_530 = tpu.memref_slice %arg6[%dma_start3A_527, %dma_start3A_528, %dma_start3A_529] : memref<8x16x768xf32, #tpu.memory_space<vmem>> -> memref<1x16x768xf32, #tpu.memory_space<vmem>>
    %dma_start3A_531 = tpu.memref_squeeze %dma_start3A_530 : memref<1x16x768xf32, #tpu.memory_space<vmem>> -> memref<16x768xf32, #tpu.memory_space<vmem>>
    %dma_start3A_532 = arith.constant 0 : i32
    %dma_start3A_533 = tpu.memref_slice %arg4[%add3A_526, %dma_start3A_532] : memref<8192x768xf32, #tpu.memory_space<hbm>> -> memref<16x768xf32, #tpu.memory_space<hbm>>
    %dma_start3A_534 = arith.constant 0 : i32
    %dma_start3A_535 = tpu.memref_slice %arg4[%add3A_526, %dma_start3A_534] : memref<8192x768xf32, #tpu.memory_space<hbm>> -> memref<16x768xf32, #tpu.memory_space<hbm>>
    %dma_start3A_536 = arith.constant 0 : i32
    %dma_start3A_537 = arith.constant 0 : i32
    %dma_start3A_538 = tpu.memref_slice %arg6[%dma_start3A_527, %dma_start3A_536, %dma_start3A_537] : memref<8x16x768xf32, #tpu.memory_space<vmem>> -> memref<1x16x768xf32, #tpu.memory_space<vmem>>
    %dma_start3A_539 = tpu.memref_squeeze %dma_start3A_538 : memref<1x16x768xf32, #tpu.memory_space<vmem>> -> memref<16x768xf32, #tpu.memory_space<vmem>>
    tpu.enqueue_dma source(%dma_start3A_539 : memref<16x768xf32, #tpu.memory_space<vmem>>) target(%dma_start3A_535 : memref<16x768xf32, #tpu.memory_space<hbm>>) target_semaphore(%arg8 : memref<!tpu.dma_semaphore, #tpu.memory_space<semaphore_mem>>)
    %dma_wait3A_540 = arith.constant 3 : i32
    %dma_wait3A_541 = arith.constant 0 : i32
    %dma_wait3A_542 = arith.constant 0 : i32
    %dma_wait3A_543 = tpu.memref_slice %arg6[%dma_wait3A_540, %dma_wait3A_541, %dma_wait3A_542] : memref<8x16x768xf32, #tpu.memory_space<vmem>> -> memref<1x16x768xf32, #tpu.memory_space<vmem>>
    %dma_wait3A_544 = tpu.memref_squeeze %dma_wait3A_543 : memref<1x16x768xf32, #tpu.memory_space<vmem>> -> memref<16x768xf32, #tpu.memory_space<vmem>>
    %dma_wait3A_545 = arith.constant 176 : i32
    %dma_wait3A_546 = tpu.memref_slice %arg5[%dma_wait3A_545] : memref<256xi32, #tpu.memory_space<vmem>> -> memref<16xi32, #tpu.memory_space<vmem>>
    %dma_wait3A_547 = arith.constant 0 : i32
    %dma_wait3A_548 = arith.constant 0 : i32
    %dma_wait3A_549 = tpu.memref_slice %arg3[%dma_wait3A_547, %dma_wait3A_548] : memref<100000x768xf32, #tpu.memory_space<hbm>> -> memref<100000x768xf32, #tpu.memory_space<hbm>>
    tpu.wait_indirect_dma semaphore(%arg7 : memref<!tpu.dma_semaphore, #tpu.memory_space<semaphore_mem>>) src(%dma_wait3A_549 : memref<100000x768xf32, #tpu.memory_space<hbm>>) dst(%dma_wait3A_544 : memref<16x768xf32, #tpu.memory_space<vmem>>)
    %add3A_550 = arith.constant 176 : i32
    %add3A_551 = arith.addi %mul3A_2, %add3A_550 : i32
    %dma_start3A_552 = arith.constant 3 : i32
    %dma_start3A_553 = arith.constant 0 : i32
    %dma_start3A_554 = arith.constant 0 : i32
    %dma_start3A_555 = tpu.memref_slice %arg6[%dma_start3A_552, %dma_start3A_553, %dma_start3A_554] : memref<8x16x768xf32, #tpu.memory_space<vmem>> -> memref<1x16x768xf32, #tpu.memory_space<vmem>>
    %dma_start3A_556 = tpu.memref_squeeze %dma_start3A_555 : memref<1x16x768xf32, #tpu.memory_space<vmem>> -> memref<16x768xf32, #tpu.memory_space<vmem>>
    %dma_start3A_557 = arith.constant 0 : i32
    %dma_start3A_558 = tpu.memref_slice %arg4[%add3A_551, %dma_start3A_557] : memref<8192x768xf32, #tpu.memory_space<hbm>> -> memref<16x768xf32, #tpu.memory_space<hbm>>
    %dma_start3A_559 = arith.constant 0 : i32
    %dma_start3A_560 = tpu.memref_slice %arg4[%add3A_551, %dma_start3A_559] : memref<8192x768xf32, #tpu.memory_space<hbm>> -> memref<16x768xf32, #tpu.memory_space<hbm>>
    %dma_start3A_561 = arith.constant 0 : i32
    %dma_start3A_562 = arith.constant 0 : i32
    %dma_start3A_563 = tpu.memref_slice %arg6[%dma_start3A_552, %dma_start3A_561, %dma_start3A_562] : memref<8x16x768xf32, #tpu.memory_space<vmem>> -> memref<1x16x768xf32, #tpu.memory_space<vmem>>
    %dma_start3A_564 = tpu.memref_squeeze %dma_start3A_563 : memref<1x16x768xf32, #tpu.memory_space<vmem>> -> memref<16x768xf32, #tpu.memory_space<vmem>>
    tpu.enqueue_dma source(%dma_start3A_564 : memref<16x768xf32, #tpu.memory_space<vmem>>) target(%dma_start3A_560 : memref<16x768xf32, #tpu.memory_space<hbm>>) target_semaphore(%arg8 : memref<!tpu.dma_semaphore, #tpu.memory_space<semaphore_mem>>)
    %dma_wait3A_565 = arith.constant 4 : i32
    %dma_wait3A_566 = arith.constant 0 : i32
    %dma_wait3A_567 = arith.constant 0 : i32
    %dma_wait3A_568 = tpu.memref_slice %arg6[%dma_wait3A_565, %dma_wait3A_566, %dma_wait3A_567] : memref<8x16x768xf32, #tpu.memory_space<vmem>> -> memref<1x16x768xf32, #tpu.memory_space<vmem>>
    %dma_wait3A_569 = tpu.memref_squeeze %dma_wait3A_568 : memref<1x16x768xf32, #tpu.memory_space<vmem>> -> memref<16x768xf32, #tpu.memory_space<vmem>>
    %dma_wait3A_570 = arith.constant 192 : i32
    %dma_wait3A_571 = tpu.memref_slice %arg5[%dma_wait3A_570] : memref<256xi32, #tpu.memory_space<vmem>> -> memref<16xi32, #tpu.memory_space<vmem>>
    %dma_wait3A_572 = arith.constant 0 : i32
    %dma_wait3A_573 = arith.constant 0 : i32
    %dma_wait3A_574 = tpu.memref_slice %arg3[%dma_wait3A_572, %dma_wait3A_573] : memref<100000x768xf32, #tpu.memory_space<hbm>> -> memref<100000x768xf32, #tpu.memory_space<hbm>>
    tpu.wait_indirect_dma semaphore(%arg7 : memref<!tpu.dma_semaphore, #tpu.memory_space<semaphore_mem>>) src(%dma_wait3A_574 : memref<100000x768xf32, #tpu.memory_space<hbm>>) dst(%dma_wait3A_569 : memref<16x768xf32, #tpu.memory_space<vmem>>)
    %add3A_575 = arith.constant 192 : i32
    %add3A_576 = arith.addi %mul3A_2, %add3A_575 : i32
    %dma_start3A_577 = arith.constant 4 : i32
    %dma_start3A_578 = arith.constant 0 : i32
    %dma_start3A_579 = arith.constant 0 : i32
    %dma_start3A_580 = tpu.memref_slice %arg6[%dma_start3A_577, %dma_start3A_578, %dma_start3A_579] : memref<8x16x768xf32, #tpu.memory_space<vmem>> -> memref<1x16x768xf32, #tpu.memory_space<vmem>>
    %dma_start3A_581 = tpu.memref_squeeze %dma_start3A_580 : memref<1x16x768xf32, #tpu.memory_space<vmem>> -> memref<16x768xf32, #tpu.memory_space<vmem>>
    %dma_start3A_582 = arith.constant 0 : i32
    %dma_start3A_583 = tpu.memref_slice %arg4[%add3A_576, %dma_start3A_582] : memref<8192x768xf32, #tpu.memory_space<hbm>> -> memref<16x768xf32, #tpu.memory_space<hbm>>
    %dma_start3A_584 = arith.constant 0 : i32
    %dma_start3A_585 = tpu.memref_slice %arg4[%add3A_576, %dma_start3A_584] : memref<8192x768xf32, #tpu.memory_space<hbm>> -> memref<16x768xf32, #tpu.memory_space<hbm>>
    %dma_start3A_586 = arith.constant 0 : i32
    %dma_start3A_587 = arith.constant 0 : i32
    %dma_start3A_588 = tpu.memref_slice %arg6[%dma_start3A_577, %dma_start3A_586, %dma_start3A_587] : memref<8x16x768xf32, #tpu.memory_space<vmem>> -> memref<1x16x768xf32, #tpu.memory_space<vmem>>
    %dma_start3A_589 = tpu.memref_squeeze %dma_start3A_588 : memref<1x16x768xf32, #tpu.memory_space<vmem>> -> memref<16x768xf32, #tpu.memory_space<vmem>>
    tpu.enqueue_dma source(%dma_start3A_589 : memref<16x768xf32, #tpu.memory_space<vmem>>) target(%dma_start3A_585 : memref<16x768xf32, #tpu.memory_space<hbm>>) target_semaphore(%arg8 : memref<!tpu.dma_semaphore, #tpu.memory_space<semaphore_mem>>)
    %dma_wait3A_590 = arith.constant 5 : i32
    %dma_wait3A_591 = arith.constant 0 : i32
    %dma_wait3A_592 = arith.constant 0 : i32
    %dma_wait3A_593 = tpu.memref_slice %arg6[%dma_wait3A_590, %dma_wait3A_591, %dma_wait3A_592] : memref<8x16x768xf32, #tpu.memory_space<vmem>> -> memref<1x16x768xf32, #tpu.memory_space<vmem>>
    %dma_wait3A_594 = tpu.memref_squeeze %dma_wait3A_593 : memref<1x16x768xf32, #tpu.memory_space<vmem>> -> memref<16x768xf32, #tpu.memory_space<vmem>>
    %dma_wait3A_595 = arith.constant 208 : i32
    %dma_wait3A_596 = tpu.memref_slice %arg5[%dma_wait3A_595] : memref<256xi32, #tpu.memory_space<vmem>> -> memref<16xi32, #tpu.memory_space<vmem>>
    %dma_wait3A_597 = arith.constant 0 : i32
    %dma_wait3A_598 = arith.constant 0 : i32
    %dma_wait3A_599 = tpu.memref_slice %arg3[%dma_wait3A_597, %dma_wait3A_598] : memref<100000x768xf32, #tpu.memory_space<hbm>> -> memref<100000x768xf32, #tpu.memory_space<hbm>>
    tpu.wait_indirect_dma semaphore(%arg7 : memref<!tpu.dma_semaphore, #tpu.memory_space<semaphore_mem>>) src(%dma_wait3A_599 : memref<100000x768xf32, #tpu.memory_space<hbm>>) dst(%dma_wait3A_594 : memref<16x768xf32, #tpu.memory_space<vmem>>)
    %add3A_600 = arith.constant 208 : i32
    %add3A_601 = arith.addi %mul3A_2, %add3A_600 : i32
    %dma_start3A_602 = arith.constant 5 : i32
    %dma_start3A_603 = arith.constant 0 : i32
    %dma_start3A_604 = arith.constant 0 : i32
    %dma_start3A_605 = tpu.memref_slice %arg6[%dma_start3A_602, %dma_start3A_603, %dma_start3A_604] : memref<8x16x768xf32, #tpu.memory_space<vmem>> -> memref<1x16x768xf32, #tpu.memory_space<vmem>>
    %dma_start3A_606 = tpu.memref_squeeze %dma_start3A_605 : memref<1x16x768xf32, #tpu.memory_space<vmem>> -> memref<16x768xf32, #tpu.memory_space<vmem>>
    %dma_start3A_607 = arith.constant 0 : i32
    %dma_start3A_608 = tpu.memref_slice %arg4[%add3A_601, %dma_start3A_607] : memref<8192x768xf32, #tpu.memory_space<hbm>> -> memref<16x768xf32, #tpu.memory_space<hbm>>
    %dma_start3A_609 = arith.constant 0 : i32
    %dma_start3A_610 = tpu.memref_slice %arg4[%add3A_601, %dma_start3A_609] : memref<8192x768xf32, #tpu.memory_space<hbm>> -> memref<16x768xf32, #tpu.memory_space<hbm>>
    %dma_start3A_611 = arith.constant 0 : i32
    %dma_start3A_612 = arith.constant 0 : i32
    %dma_start3A_613 = tpu.memref_slice %arg6[%dma_start3A_602, %dma_start3A_611, %dma_start3A_612] : memref<8x16x768xf32, #tpu.memory_space<vmem>> -> memref<1x16x768xf32, #tpu.memory_space<vmem>>
    %dma_start3A_614 = tpu.memref_squeeze %dma_start3A_613 : memref<1x16x768xf32, #tpu.memory_space<vmem>> -> memref<16x768xf32, #tpu.memory_space<vmem>>
    tpu.enqueue_dma source(%dma_start3A_614 : memref<16x768xf32, #tpu.memory_space<vmem>>) target(%dma_start3A_610 : memref<16x768xf32, #tpu.memory_space<hbm>>) target_semaphore(%arg8 : memref<!tpu.dma_semaphore, #tpu.memory_space<semaphore_mem>>)
    %dma_wait3A_615 = arith.constant 6 : i32
    %dma_wait3A_616 = arith.constant 0 : i32
    %dma_wait3A_617 = arith.constant 0 : i32
    %dma_wait3A_618 = tpu.memref_slice %arg6[%dma_wait3A_615, %dma_wait3A_616, %dma_wait3A_617] : memref<8x16x768xf32, #tpu.memory_space<vmem>> -> memref<1x16x768xf32, #tpu.memory_space<vmem>>
    %dma_wait3A_619 = tpu.memref_squeeze %dma_wait3A_618 : memref<1x16x768xf32, #tpu.memory_space<vmem>> -> memref<16x768xf32, #tpu.memory_space<vmem>>
    %dma_wait3A_620 = arith.constant 224 : i32
    %dma_wait3A_621 = tpu.memref_slice %arg5[%dma_wait3A_620] : memref<256xi32, #tpu.memory_space<vmem>> -> memref<16xi32, #tpu.memory_space<vmem>>
    %dma_wait3A_622 = arith.constant 0 : i32
    %dma_wait3A_623 = arith.constant 0 : i32
    %dma_wait3A_624 = tpu.memref_slice %arg3[%dma_wait3A_622, %dma_wait3A_623] : memref<100000x768xf32, #tpu.memory_space<hbm>> -> memref<100000x768xf32, #tpu.memory_space<hbm>>
    tpu.wait_indirect_dma semaphore(%arg7 : memref<!tpu.dma_semaphore, #tpu.memory_space<semaphore_mem>>) src(%dma_wait3A_624 : memref<100000x768xf32, #tpu.memory_space<hbm>>) dst(%dma_wait3A_619 : memref<16x768xf32, #tpu.memory_space<vmem>>)
    %add3A_625 = arith.constant 224 : i32
    %add3A_626 = arith.addi %mul3A_2, %add3A_625 : i32
    %dma_start3A_627 = arith.constant 6 : i32
    %dma_start3A_628 = arith.constant 0 : i32
    %dma_start3A_629 = arith.constant 0 : i32
    %dma_start3A_630 = tpu.memref_slice %arg6[%dma_start3A_627, %dma_start3A_628, %dma_start3A_629] : memref<8x16x768xf32, #tpu.memory_space<vmem>> -> memref<1x16x768xf32, #tpu.memory_space<vmem>>
    %dma_start3A_631 = tpu.memref_squeeze %dma_start3A_630 : memref<1x16x768xf32, #tpu.memory_space<vmem>> -> memref<16x768xf32, #tpu.memory_space<vmem>>
    %dma_start3A_632 = arith.constant 0 : i32
    %dma_start3A_633 = tpu.memref_slice %arg4[%add3A_626, %dma_start3A_632] : memref<8192x768xf32, #tpu.memory_space<hbm>> -> memref<16x768xf32, #tpu.memory_space<hbm>>
    %dma_start3A_634 = arith.constant 0 : i32
    %dma_start3A_635 = tpu.memref_slice %arg4[%add3A_626, %dma_start3A_634] : memref<8192x768xf32, #tpu.memory_space<hbm>> -> memref<16x768xf32, #tpu.memory_space<hbm>>
    %dma_start3A_636 = arith.constant 0 : i32
    %dma_start3A_637 = arith.constant 0 : i32
    %dma_start3A_638 = tpu.memref_slice %arg6[%dma_start3A_627, %dma_start3A_636, %dma_start3A_637] : memref<8x16x768xf32, #tpu.memory_space<vmem>> -> memref<1x16x768xf32, #tpu.memory_space<vmem>>
    %dma_start3A_639 = tpu.memref_squeeze %dma_start3A_638 : memref<1x16x768xf32, #tpu.memory_space<vmem>> -> memref<16x768xf32, #tpu.memory_space<vmem>>
    tpu.enqueue_dma source(%dma_start3A_639 : memref<16x768xf32, #tpu.memory_space<vmem>>) target(%dma_start3A_635 : memref<16x768xf32, #tpu.memory_space<hbm>>) target_semaphore(%arg8 : memref<!tpu.dma_semaphore, #tpu.memory_space<semaphore_mem>>)
    %dma_wait3A_640 = arith.constant 7 : i32
    %dma_wait3A_641 = arith.constant 0 : i32
    %dma_wait3A_642 = arith.constant 0 : i32
    %dma_wait3A_643 = tpu.memref_slice %arg6[%dma_wait3A_640, %dma_wait3A_641, %dma_wait3A_642] : memref<8x16x768xf32, #tpu.memory_space<vmem>> -> memref<1x16x768xf32, #tpu.memory_space<vmem>>
    %dma_wait3A_644 = tpu.memref_squeeze %dma_wait3A_643 : memref<1x16x768xf32, #tpu.memory_space<vmem>> -> memref<16x768xf32, #tpu.memory_space<vmem>>
    %dma_wait3A_645 = arith.constant 240 : i32
    %dma_wait3A_646 = tpu.memref_slice %arg5[%dma_wait3A_645] : memref<256xi32, #tpu.memory_space<vmem>> -> memref<16xi32, #tpu.memory_space<vmem>>
    %dma_wait3A_647 = arith.constant 0 : i32
    %dma_wait3A_648 = arith.constant 0 : i32
    %dma_wait3A_649 = tpu.memref_slice %arg3[%dma_wait3A_647, %dma_wait3A_648] : memref<100000x768xf32, #tpu.memory_space<hbm>> -> memref<100000x768xf32, #tpu.memory_space<hbm>>
    tpu.wait_indirect_dma semaphore(%arg7 : memref<!tpu.dma_semaphore, #tpu.memory_space<semaphore_mem>>) src(%dma_wait3A_649 : memref<100000x768xf32, #tpu.memory_space<hbm>>) dst(%dma_wait3A_644 : memref<16x768xf32, #tpu.memory_space<vmem>>)
    %add3A_650 = arith.constant 240 : i32
    %add3A_651 = arith.addi %mul3A_2, %add3A_650 : i32
    %dma_start3A_652 = arith.constant 7 : i32
    %dma_start3A_653 = arith.constant 0 : i32
    %dma_start3A_654 = arith.constant 0 : i32
    %dma_start3A_655 = tpu.memref_slice %arg6[%dma_start3A_652, %dma_start3A_653, %dma_start3A_654] : memref<8x16x768xf32, #tpu.memory_space<vmem>> -> memref<1x16x768xf32, #tpu.memory_space<vmem>>
    %dma_start3A_656 = tpu.memref_squeeze %dma_start3A_655 : memref<1x16x768xf32, #tpu.memory_space<vmem>> -> memref<16x768xf32, #tpu.memory_space<vmem>>
    %dma_start3A_657 = arith.constant 0 : i32
    %dma_start3A_658 = tpu.memref_slice %arg4[%add3A_651, %dma_start3A_657] : memref<8192x768xf32, #tpu.memory_space<hbm>> -> memref<16x768xf32, #tpu.memory_space<hbm>>
    %dma_start3A_659 = arith.constant 0 : i32
    %dma_start3A_660 = tpu.memref_slice %arg4[%add3A_651, %dma_start3A_659] : memref<8192x768xf32, #tpu.memory_space<hbm>> -> memref<16x768xf32, #tpu.memory_space<hbm>>
    %dma_start3A_661 = arith.constant 0 : i32
    %dma_start3A_662 = arith.constant 0 : i32
    %dma_start3A_663 = tpu.memref_slice %arg6[%dma_start3A_652, %dma_start3A_661, %dma_start3A_662] : memref<8x16x768xf32, #tpu.memory_space<vmem>> -> memref<1x16x768xf32, #tpu.memory_space<vmem>>
    %dma_start3A_664 = tpu.memref_squeeze %dma_start3A_663 : memref<1x16x768xf32, #tpu.memory_space<vmem>> -> memref<16x768xf32, #tpu.memory_space<vmem>>
    tpu.enqueue_dma source(%dma_start3A_664 : memref<16x768xf32, #tpu.memory_space<vmem>>) target(%dma_start3A_660 : memref<16x768xf32, #tpu.memory_space<hbm>>) target_semaphore(%arg8 : memref<!tpu.dma_semaphore, #tpu.memory_space<semaphore_mem>>)
    %dma_wait3A_665 = arith.constant 0 : i32
    %dma_wait3A_666 = arith.constant 0 : i32
    %dma_wait3A_667 = arith.constant 0 : i32
    %dma_wait3A_668 = tpu.memref_slice %arg6[%dma_wait3A_665, %dma_wait3A_666, %dma_wait3A_667] : memref<8x16x768xf32, #tpu.memory_space<vmem>> -> memref<1x16x768xf32, #tpu.memory_space<vmem>>
    %dma_wait3A_669 = tpu.memref_squeeze %dma_wait3A_668 : memref<1x16x768xf32, #tpu.memory_space<vmem>> -> memref<16x768xf32, #tpu.memory_space<vmem>>
    %dma_wait3A_670 = arith.constant 0 : i32
    %dma_wait3A_671 = tpu.memref_slice %arg4[%add3A_476, %dma_wait3A_670] : memref<8192x768xf32, #tpu.memory_space<hbm>> -> memref<16x768xf32, #tpu.memory_space<hbm>>
    %dma_wait3A_672 = arith.constant 0 : i32
    %dma_wait3A_673 = tpu.memref_slice %arg4[%add3A_476, %dma_wait3A_672] : memref<8192x768xf32, #tpu.memory_space<hbm>> -> memref<16x768xf32, #tpu.memory_space<hbm>>
    %dma_wait3A_674 = arith.constant 0 : i32
    %dma_wait3A_675 = arith.constant 0 : i32
    %dma_wait3A_676 = tpu.memref_slice %arg6[%dma_wait3A_665, %dma_wait3A_674, %dma_wait3A_675] : memref<8x16x768xf32, #tpu.memory_space<vmem>> -> memref<1x16x768xf32, #tpu.memory_space<vmem>>
    %dma_wait3A_677 = tpu.memref_squeeze %dma_wait3A_676 : memref<1x16x768xf32, #tpu.memory_space<vmem>> -> memref<16x768xf32, #tpu.memory_space<vmem>>
    tpu.wait_dma2 semaphore(%arg8 : memref<!tpu.dma_semaphore, #tpu.memory_space<semaphore_mem>>) src(%dma_wait3A_677 : memref<16x768xf32, #tpu.memory_space<vmem>>) dst(%dma_wait3A_673 : memref<16x768xf32, #tpu.memory_space<hbm>>)
    %dma_wait3A_678 = arith.constant 1 : i32
    %dma_wait3A_679 = arith.constant 0 : i32
    %dma_wait3A_680 = arith.constant 0 : i32
    %dma_wait3A_681 = tpu.memref_slice %arg6[%dma_wait3A_678, %dma_wait3A_679, %dma_wait3A_680] : memref<8x16x768xf32, #tpu.memory_space<vmem>> -> memref<1x16x768xf32, #tpu.memory_space<vmem>>
    %dma_wait3A_682 = tpu.memref_squeeze %dma_wait3A_681 : memref<1x16x768xf32, #tpu.memory_space<vmem>> -> memref<16x768xf32, #tpu.memory_space<vmem>>
    %dma_wait3A_683 = arith.constant 0 : i32
    %dma_wait3A_684 = tpu.memref_slice %arg4[%add3A_501, %dma_wait3A_683] : memref<8192x768xf32, #tpu.memory_space<hbm>> -> memref<16x768xf32, #tpu.memory_space<hbm>>
    %dma_wait3A_685 = arith.constant 0 : i32
    %dma_wait3A_686 = tpu.memref_slice %arg4[%add3A_501, %dma_wait3A_685] : memref<8192x768xf32, #tpu.memory_space<hbm>> -> memref<16x768xf32, #tpu.memory_space<hbm>>
    %dma_wait3A_687 = arith.constant 0 : i32
    %dma_wait3A_688 = arith.constant 0 : i32
    %dma_wait3A_689 = tpu.memref_slice %arg6[%dma_wait3A_678, %dma_wait3A_687, %dma_wait3A_688] : memref<8x16x768xf32, #tpu.memory_space<vmem>> -> memref<1x16x768xf32, #tpu.memory_space<vmem>>
    %dma_wait3A_690 = tpu.memref_squeeze %dma_wait3A_689 : memref<1x16x768xf32, #tpu.memory_space<vmem>> -> memref<16x768xf32, #tpu.memory_space<vmem>>
    tpu.wait_dma2 semaphore(%arg8 : memref<!tpu.dma_semaphore, #tpu.memory_space<semaphore_mem>>) src(%dma_wait3A_690 : memref<16x768xf32, #tpu.memory_space<vmem>>) dst(%dma_wait3A_686 : memref<16x768xf32, #tpu.memory_space<hbm>>)
    %dma_wait3A_691 = arith.constant 2 : i32
    %dma_wait3A_692 = arith.constant 0 : i32
    %dma_wait3A_693 = arith.constant 0 : i32
    %dma_wait3A_694 = tpu.memref_slice %arg6[%dma_wait3A_691, %dma_wait3A_692, %dma_wait3A_693] : memref<8x16x768xf32, #tpu.memory_space<vmem>> -> memref<1x16x768xf32, #tpu.memory_space<vmem>>
    %dma_wait3A_695 = tpu.memref_squeeze %dma_wait3A_694 : memref<1x16x768xf32, #tpu.memory_space<vmem>> -> memref<16x768xf32, #tpu.memory_space<vmem>>
    %dma_wait3A_696 = arith.constant 0 : i32
    %dma_wait3A_697 = tpu.memref_slice %arg4[%add3A_526, %dma_wait3A_696] : memref<8192x768xf32, #tpu.memory_space<hbm>> -> memref<16x768xf32, #tpu.memory_space<hbm>>
    %dma_wait3A_698 = arith.constant 0 : i32
    %dma_wait3A_699 = tpu.memref_slice %arg4[%add3A_526, %dma_wait3A_698] : memref<8192x768xf32, #tpu.memory_space<hbm>> -> memref<16x768xf32, #tpu.memory_space<hbm>>
    %dma_wait3A_700 = arith.constant 0 : i32
    %dma_wait3A_701 = arith.constant 0 : i32
    %dma_wait3A_702 = tpu.memref_slice %arg6[%dma_wait3A_691, %dma_wait3A_700, %dma_wait3A_701] : memref<8x16x768xf32, #tpu.memory_space<vmem>> -> memref<1x16x768xf32, #tpu.memory_space<vmem>>
    %dma_wait3A_703 = tpu.memref_squeeze %dma_wait3A_702 : memref<1x16x768xf32, #tpu.memory_space<vmem>> -> memref<16x768xf32, #tpu.memory_space<vmem>>
    tpu.wait_dma2 semaphore(%arg8 : memref<!tpu.dma_semaphore, #tpu.memory_space<semaphore_mem>>) src(%dma_wait3A_703 : memref<16x768xf32, #tpu.memory_space<vmem>>) dst(%dma_wait3A_699 : memref<16x768xf32, #tpu.memory_space<hbm>>)
    %dma_wait3A_704 = arith.constant 3 : i32
    %dma_wait3A_705 = arith.constant 0 : i32
    %dma_wait3A_706 = arith.constant 0 : i32
    %dma_wait3A_707 = tpu.memref_slice %arg6[%dma_wait3A_704, %dma_wait3A_705, %dma_wait3A_706] : memref<8x16x768xf32, #tpu.memory_space<vmem>> -> memref<1x16x768xf32, #tpu.memory_space<vmem>>
    %dma_wait3A_708 = tpu.memref_squeeze %dma_wait3A_707 : memref<1x16x768xf32, #tpu.memory_space<vmem>> -> memref<16x768xf32, #tpu.memory_space<vmem>>
    %dma_wait3A_709 = arith.constant 0 : i32
    %dma_wait3A_710 = tpu.memref_slice %arg4[%add3A_551, %dma_wait3A_709] : memref<8192x768xf32, #tpu.memory_space<hbm>> -> memref<16x768xf32, #tpu.memory_space<hbm>>
    %dma_wait3A_711 = arith.constant 0 : i32
    %dma_wait3A_712 = tpu.memref_slice %arg4[%add3A_551, %dma_wait3A_711] : memref<8192x768xf32, #tpu.memory_space<hbm>> -> memref<16x768xf32, #tpu.memory_space<hbm>>
    %dma_wait3A_713 = arith.constant 0 : i32
    %dma_wait3A_714 = arith.constant 0 : i32
    %dma_wait3A_715 = tpu.memref_slice %arg6[%dma_wait3A_704, %dma_wait3A_713, %dma_wait3A_714] : memref<8x16x768xf32, #tpu.memory_space<vmem>> -> memref<1x16x768xf32, #tpu.memory_space<vmem>>
    %dma_wait3A_716 = tpu.memref_squeeze %dma_wait3A_715 : memref<1x16x768xf32, #tpu.memory_space<vmem>> -> memref<16x768xf32, #tpu.memory_space<vmem>>
    tpu.wait_dma2 semaphore(%arg8 : memref<!tpu.dma_semaphore, #tpu.memory_space<semaphore_mem>>) src(%dma_wait3A_716 : memref<16x768xf32, #tpu.memory_space<vmem>>) dst(%dma_wait3A_712 : memref<16x768xf32, #tpu.memory_space<hbm>>)
    %dma_wait3A_717 = arith.constant 4 : i32
    %dma_wait3A_718 = arith.constant 0 : i32
    %dma_wait3A_719 = arith.constant 0 : i32
    %dma_wait3A_720 = tpu.memref_slice %arg6[%dma_wait3A_717, %dma_wait3A_718, %dma_wait3A_719] : memref<8x16x768xf32, #tpu.memory_space<vmem>> -> memref<1x16x768xf32, #tpu.memory_space<vmem>>
    %dma_wait3A_721 = tpu.memref_squeeze %dma_wait3A_720 : memref<1x16x768xf32, #tpu.memory_space<vmem>> -> memref<16x768xf32, #tpu.memory_space<vmem>>
    %dma_wait3A_722 = arith.constant 0 : i32
    %dma_wait3A_723 = tpu.memref_slice %arg4[%add3A_576, %dma_wait3A_722] : memref<8192x768xf32, #tpu.memory_space<hbm>> -> memref<16x768xf32, #tpu.memory_space<hbm>>
    %dma_wait3A_724 = arith.constant 0 : i32
    %dma_wait3A_725 = tpu.memref_slice %arg4[%add3A_576, %dma_wait3A_724] : memref<8192x768xf32, #tpu.memory_space<hbm>> -> memref<16x768xf32, #tpu.memory_space<hbm>>
    %dma_wait3A_726 = arith.constant 0 : i32
    %dma_wait3A_727 = arith.constant 0 : i32
    %dma_wait3A_728 = tpu.memref_slice %arg6[%dma_wait3A_717, %dma_wait3A_726, %dma_wait3A_727] : memref<8x16x768xf32, #tpu.memory_space<vmem>> -> memref<1x16x768xf32, #tpu.memory_space<vmem>>
    %dma_wait3A_729 = tpu.memref_squeeze %dma_wait3A_728 : memref<1x16x768xf32, #tpu.memory_space<vmem>> -> memref<16x768xf32, #tpu.memory_space<vmem>>
    tpu.wait_dma2 semaphore(%arg8 : memref<!tpu.dma_semaphore, #tpu.memory_space<semaphore_mem>>) src(%dma_wait3A_729 : memref<16x768xf32, #tpu.memory_space<vmem>>) dst(%dma_wait3A_725 : memref<16x768xf32, #tpu.memory_space<hbm>>)
    %dma_wait3A_730 = arith.constant 5 : i32
    %dma_wait3A_731 = arith.constant 0 : i32
    %dma_wait3A_732 = arith.constant 0 : i32
    %dma_wait3A_733 = tpu.memref_slice %arg6[%dma_wait3A_730, %dma_wait3A_731, %dma_wait3A_732] : memref<8x16x768xf32, #tpu.memory_space<vmem>> -> memref<1x16x768xf32, #tpu.memory_space<vmem>>
    %dma_wait3A_734 = tpu.memref_squeeze %dma_wait3A_733 : memref<1x16x768xf32, #tpu.memory_space<vmem>> -> memref<16x768xf32, #tpu.memory_space<vmem>>
    %dma_wait3A_735 = arith.constant 0 : i32
    %dma_wait3A_736 = tpu.memref_slice %arg4[%add3A_601, %dma_wait3A_735] : memref<8192x768xf32, #tpu.memory_space<hbm>> -> memref<16x768xf32, #tpu.memory_space<hbm>>
    %dma_wait3A_737 = arith.constant 0 : i32
    %dma_wait3A_738 = tpu.memref_slice %arg4[%add3A_601, %dma_wait3A_737] : memref<8192x768xf32, #tpu.memory_space<hbm>> -> memref<16x768xf32, #tpu.memory_space<hbm>>
    %dma_wait3A_739 = arith.constant 0 : i32
    %dma_wait3A_740 = arith.constant 0 : i32
    %dma_wait3A_741 = tpu.memref_slice %arg6[%dma_wait3A_730, %dma_wait3A_739, %dma_wait3A_740] : memref<8x16x768xf32, #tpu.memory_space<vmem>> -> memref<1x16x768xf32, #tpu.memory_space<vmem>>
    %dma_wait3A_742 = tpu.memref_squeeze %dma_wait3A_741 : memref<1x16x768xf32, #tpu.memory_space<vmem>> -> memref<16x768xf32, #tpu.memory_space<vmem>>
    tpu.wait_dma2 semaphore(%arg8 : memref<!tpu.dma_semaphore, #tpu.memory_space<semaphore_mem>>) src(%dma_wait3A_742 : memref<16x768xf32, #tpu.memory_space<vmem>>) dst(%dma_wait3A_738 : memref<16x768xf32, #tpu.memory_space<hbm>>)
    %dma_wait3A_743 = arith.constant 6 : i32
    %dma_wait3A_744 = arith.constant 0 : i32
    %dma_wait3A_745 = arith.constant 0 : i32
    %dma_wait3A_746 = tpu.memref_slice %arg6[%dma_wait3A_743, %dma_wait3A_744, %dma_wait3A_745] : memref<8x16x768xf32, #tpu.memory_space<vmem>> -> memref<1x16x768xf32, #tpu.memory_space<vmem>>
    %dma_wait3A_747 = tpu.memref_squeeze %dma_wait3A_746 : memref<1x16x768xf32, #tpu.memory_space<vmem>> -> memref<16x768xf32, #tpu.memory_space<vmem>>
    %dma_wait3A_748 = arith.constant 0 : i32
    %dma_wait3A_749 = tpu.memref_slice %arg4[%add3A_626, %dma_wait3A_748] : memref<8192x768xf32, #tpu.memory_space<hbm>> -> memref<16x768xf32, #tpu.memory_space<hbm>>
    %dma_wait3A_750 = arith.constant 0 : i32
    %dma_wait3A_751 = tpu.memref_slice %arg4[%add3A_626, %dma_wait3A_750] : memref<8192x768xf32, #tpu.memory_space<hbm>> -> memref<16x768xf32, #tpu.memory_space<hbm>>
    %dma_wait3A_752 = arith.constant 0 : i32
    %dma_wait3A_753 = arith.constant 0 : i32
    %dma_wait3A_754 = tpu.memref_slice %arg6[%dma_wait3A_743, %dma_wait3A_752, %dma_wait3A_753] : memref<8x16x768xf32, #tpu.memory_space<vmem>> -> memref<1x16x768xf32, #tpu.memory_space<vmem>>
    %dma_wait3A_755 = tpu.memref_squeeze %dma_wait3A_754 : memref<1x16x768xf32, #tpu.memory_space<vmem>> -> memref<16x768xf32, #tpu.memory_space<vmem>>
    tpu.wait_dma2 semaphore(%arg8 : memref<!tpu.dma_semaphore, #tpu.memory_space<semaphore_mem>>) src(%dma_wait3A_755 : memref<16x768xf32, #tpu.memory_space<vmem>>) dst(%dma_wait3A_751 : memref<16x768xf32, #tpu.memory_space<hbm>>)
    %dma_wait3A_756 = arith.constant 7 : i32
    %dma_wait3A_757 = arith.constant 0 : i32
    %dma_wait3A_758 = arith.constant 0 : i32
    %dma_wait3A_759 = tpu.memref_slice %arg6[%dma_wait3A_756, %dma_wait3A_757, %dma_wait3A_758] : memref<8x16x768xf32, #tpu.memory_space<vmem>> -> memref<1x16x768xf32, #tpu.memory_space<vmem>>
    %dma_wait3A_760 = tpu.memref_squeeze %dma_wait3A_759 : memref<1x16x768xf32, #tpu.memory_space<vmem>> -> memref<16x768xf32, #tpu.memory_space<vmem>>
    %dma_wait3A_761 = arith.constant 0 : i32
    %dma_wait3A_762 = tpu.memref_slice %arg4[%add3A_651, %dma_wait3A_761] : memref<8192x768xf32, #tpu.memory_space<hbm>> -> memref<16x768xf32, #tpu.memory_space<hbm>>
    %dma_wait3A_763 = arith.constant 0 : i32
    %dma_wait3A_764 = tpu.memref_slice %arg4[%add3A_651, %dma_wait3A_763] : memref<8192x768xf32, #tpu.memory_space<hbm>> -> memref<16x768xf32, #tpu.memory_space<hbm>>
    %dma_wait3A_765 = arith.constant 0 : i32
    %dma_wait3A_766 = arith.constant 0 : i32
    %dma_wait3A_767 = tpu.memref_slice %arg6[%dma_wait3A_756, %dma_wait3A_765, %dma_wait3A_766] : memref<8x16x768xf32, #tpu.memory_space<vmem>> -> memref<1x16x768xf32, #tpu.memory_space<vmem>>
    %dma_wait3A_768 = tpu.memref_squeeze %dma_wait3A_767 : memref<1x16x768xf32, #tpu.memory_space<vmem>> -> memref<16x768xf32, #tpu.memory_space<vmem>>
    tpu.wait_dma2 semaphore(%arg8 : memref<!tpu.dma_semaphore, #tpu.memory_space<semaphore_mem>>) src(%dma_wait3A_768 : memref<16x768xf32, #tpu.memory_space<vmem>>) dst(%dma_wait3A_764 : memref<16x768xf32, #tpu.memory_space<hbm>>)
    return
  }
}

module attributes {stable_mosaic.version = 14 : i64} {
  func.func @_ln_body(%arg0: i32, %arg1: i32, %arg2: memref<2048x768xf32, #tpu.memory_space<vmem>>, %arg3: memref<2048x768xf32, #tpu.memory_space<vmem>>, %arg4: memref<2048x1xi32, #tpu.memory_space<vmem>>, %arg5: memref<2x768xf32, #tpu.memory_space<vmem>>, %arg6: memref<1x768xf32, #tpu.memory_space<vmem>>, %arg7: memref<1x768xf32, #tpu.memory_space<vmem>>, %arg8: memref<2048x768xf32, #tpu.memory_space<vmem>>) attributes {dimension_semantics = [#tpu.dimension_semantics<arbitrary>, #tpu.dimension_semantics<arbitrary>], iteration_bounds = array<i64: 1, 4>, scalar_prefetch = 0 : i64, scratch_operands = 0 : i64, tpu.core_type = #tpu.core_type<tc>, window_params = [{transform_indices = @transform_0, window_bounds = array<i64: 2048, 768>}, {transform_indices = @transform_1, window_bounds = array<i64: 2048, 768>}, {transform_indices = @transform_2, window_bounds = array<i64: 2048, 1>}, {pipeline_mode = #tpu.pipeline_mode<synchronous>, transform_indices = @transform_3, window_bounds = array<i64: 2, 768>}, {pipeline_mode = #tpu.pipeline_mode<synchronous>, transform_indices = @transform_4, window_bounds = array<i64: 1, 768>}, {pipeline_mode = #tpu.pipeline_mode<synchronous>, transform_indices = @transform_5, window_bounds = array<i64: 1, 768>}, {transform_indices = @transform_6, window_bounds = array<i64: 2048, 768>}]} {
    %get3A = arith.constant 0 : index
    %get3A_0 = arith.constant 0 : index
    %get3A_1 = vector.load %arg2[%get3A, %get3A_0] : memref<2048x768xf32, #tpu.memory_space<vmem>>, vector<2048x768xf32>
    %get3A_2 = arith.constant 0 : index
    %get3A_3 = arith.constant 0 : index
    %get3A_4 = vector.load %arg3[%get3A_2, %get3A_3] : memref<2048x768xf32, #tpu.memory_space<vmem>>, vector<2048x768xf32>
    %add3A = arith.addf %get3A_1, %get3A_4 : vector<2048x768xf32>
    %get3A_5 = arith.constant 0 : index
    %get3A_6 = arith.constant 0 : index
    %get3A_7 = vector.load %arg5[%get3A_5, %get3A_6] : memref<2x768xf32, #tpu.memory_space<vmem>>, vector<1x768xf32>
    %get3A_8 = arith.constant 1 : index
    %get3A_9 = arith.constant 0 : index
    %get3A_10 = vector.load %arg5[%get3A_8, %get3A_9] : memref<2x768xf32, #tpu.memory_space<vmem>>, vector<1x768xf32>
    %add3A_11 = vector.broadcast %get3A_7 : vector<1x768xf32> to vector<2048x768xf32>
    %add3A_12 = arith.addf %add3A, %add3A_11 : vector<2048x768xf32>
    %get3A_13 = arith.constant 0 : index
    %get3A_14 = arith.constant 0 : index
    %get3A_15 = vector.load %arg4[%get3A_13, %get3A_14] : memref<2048x1xi32, #tpu.memory_space<vmem>>, vector<2048x1xi32>
    %convert_element_type3A = arith.sitofp %get3A_15 : vector<2048x1xi32> to vector<2048x1xf32>
    %sub3A = arith.subf %get3A_10, %get3A_7 : vector<1x768xf32>
    %mul3A = vector.broadcast %convert_element_type3A : vector<2048x1xf32> to vector<2048x768xf32>
    %mul3A_16 = vector.broadcast %sub3A : vector<1x768xf32> to vector<2048x768xf32>
    %mul3A_17 = arith.mulf %mul3A, %mul3A_16 : vector<2048x768xf32>
    %add3A_18 = arith.addf %add3A_12, %mul3A_17 : vector<2048x768xf32>
    %reduce_sum3A = arith.constant dense<0.000000e+00> : vector<2048xf32>
    %reduce_sum3A_19 = vector.multi_reduction <add>, %add3A_18, %reduce_sum3A [1] : vector<2048x768xf32> to vector<2048xf32>
    %broadcast_in_dim3A = vector.shape_cast %reduce_sum3A_19 : vector<2048xf32> to vector<2048x1xf32>
    %div3A = arith.constant 7.680000e+02 : f32
    %div3A_20 = vector.broadcast %div3A : f32 to vector<2048x1xf32>
    %div3A_21 = arith.divf %broadcast_in_dim3A, %div3A_20 : vector<2048x1xf32>
    %sub3A_22 = vector.broadcast %div3A_21 : vector<2048x1xf32> to vector<2048x768xf32>
    %sub3A_23 = arith.subf %add3A_18, %sub3A_22 : vector<2048x768xf32>
    %mul3A_24 = arith.mulf %sub3A_23, %sub3A_23 : vector<2048x768xf32>
    %reduce_sum3A_25 = arith.constant dense<0.000000e+00> : vector<2048xf32>
    %reduce_sum3A_26 = vector.multi_reduction <add>, %mul3A_24, %reduce_sum3A_25 [1] : vector<2048x768xf32> to vector<2048xf32>
    %broadcast_in_dim3A_27 = vector.shape_cast %reduce_sum3A_26 : vector<2048xf32> to vector<2048x1xf32>
    %div3A_28 = arith.constant 7.680000e+02 : f32
    %div3A_29 = vector.broadcast %div3A_28 : f32 to vector<2048x1xf32>
    %div3A_30 = arith.divf %broadcast_in_dim3A_27, %div3A_29 : vector<2048x1xf32>
    %add3A_31 = arith.constant 9.99999974E-6 : f32
    %add3A_32 = vector.broadcast %add3A_31 : f32 to vector<2048x1xf32>
    %add3A_33 = arith.addf %div3A_30, %add3A_32 : vector<2048x1xf32>
    %rsqrt3A = math.rsqrt %add3A_33 : vector<2048x1xf32>
    %mul3A_34 = vector.broadcast %rsqrt3A : vector<2048x1xf32> to vector<2048x768xf32>
    %mul3A_35 = arith.mulf %sub3A_23, %mul3A_34 : vector<2048x768xf32>
    %get3A_36 = arith.constant 0 : index
    %get3A_37 = arith.constant 0 : index
    %get3A_38 = vector.load %arg6[%get3A_36, %get3A_37] : memref<1x768xf32, #tpu.memory_space<vmem>>, vector<1x768xf32>
    %mul3A_39 = vector.broadcast %get3A_38 : vector<1x768xf32> to vector<2048x768xf32>
    %mul3A_40 = arith.mulf %mul3A_35, %mul3A_39 : vector<2048x768xf32>
    %get3A_41 = arith.constant 0 : index
    %get3A_42 = arith.constant 0 : index
    %get3A_43 = vector.load %arg7[%get3A_41, %get3A_42] : memref<1x768xf32, #tpu.memory_space<vmem>>, vector<1x768xf32>
    %add3A_44 = vector.broadcast %get3A_43 : vector<1x768xf32> to vector<2048x768xf32>
    %add3A_45 = arith.addf %mul3A_40, %add3A_44 : vector<2048x768xf32>
    %swap3A = arith.constant 0 : index
    %swap3A_46 = arith.constant 0 : index
    %swap3A_47 = vector.load %arg8[%swap3A, %swap3A_46] : memref<2048x768xf32, #tpu.memory_space<vmem>>, vector<2048x768xf32>
    tpu.vector_store %arg8[%swap3A, %swap3A_46], %add3A_45 {strides = array<i32>} : memref<2048x768xf32, #tpu.memory_space<vmem>>, vector<2048x768xf32>,
    return
  }
  func.func @transform_0(%arg0: i32, %arg1: i32) -> (i32, i32) {
    %mul3A = arith.constant 1 : i32
    %mul3A_0 = arith.muli %arg1, %mul3A : i32
    %add3A = arith.addi %mul3A_0, %arg0 : i32
    %c0_i32 = arith.constant 0 : i32
    %c0_i32_1 = arith.constant 0 : i32
    return %add3A, %c0_i32 : i32, i32
  }
  func.func @transform_1(%arg0: i32, %arg1: i32) -> (i32, i32) {
    %c0_i32 = arith.constant 0 : i32
    %c0_i32_0 = arith.constant 0 : i32
    return %arg0, %c0_i32 : i32, i32
  }
  func.func @transform_2(%arg0: i32, %arg1: i32) -> (i32, i32) {
    %mul3A = arith.constant 1 : i32
    %mul3A_0 = arith.muli %arg1, %mul3A : i32
    %add3A = arith.addi %mul3A_0, %arg0 : i32
    %c0_i32 = arith.constant 0 : i32
    %c0_i32_1 = arith.constant 0 : i32
    return %add3A, %c0_i32 : i32, i32
  }
  func.func @transform_3(%arg0: i32, %arg1: i32) -> (i32, i32) {
    %c0_i32 = arith.constant 0 : i32
    %c0_i32_0 = arith.constant 0 : i32
    %c0_i32_1 = arith.constant 0 : i32
    return %c0_i32, %c0_i32_0 : i32, i32
  }
  func.func @transform_4(%arg0: i32, %arg1: i32) -> (i32, i32) {
    %c0_i32 = arith.constant 0 : i32
    %c0_i32_0 = arith.constant 0 : i32
    %c0_i32_1 = arith.constant 0 : i32
    return %c0_i32, %c0_i32_0 : i32, i32
  }
  func.func @transform_5(%arg0: i32, %arg1: i32) -> (i32, i32) {
    %c0_i32 = arith.constant 0 : i32
    %c0_i32_0 = arith.constant 0 : i32
    %c0_i32_1 = arith.constant 0 : i32
    return %c0_i32, %c0_i32_0 : i32, i32
  }
  func.func @transform_6(%arg0: i32, %arg1: i32) -> (i32, i32) {
    %mul3A = arith.constant 1 : i32
    %mul3A_0 = arith.muli %arg1, %mul3A : i32
    %add3A = arith.addi %mul3A_0, %arg0 : i32
    %c0_i32 = arith.constant 0 : i32
    %c0_i32_1 = arith.constant 0 : i32
    return %add3A, %c0_i32 : i32, i32
  }
}

</mosaic_0001>

<sc_bundles>
// kernel: kernel.4.cloned.1.call-start
scs
__scs_entry_jumppad:
0x0: {  	(pc) =	sbr.rel $0x88, $3  }
0x1: {  	(tag) =	ssettag $0x0;
	lr =	simm.s32 $0x1  }
0x2: {  	[smem:$0x3F9A] =	sst lr;
	_ =	strace $0xD0000000  }
0x3: {  	_ = 	snop  }
0x4: {  	_ = 	snop  }
0x5: {  	_ = 	snop  }
0x6: {  	_ = 	snop  }
0x7: {  	_ = 	snop  }
__scs_overlays_trampoline_lowered:
0x8: {  	[smem:$0x3FA9] =	sst s0  }
0x9: {  	[smem:$0x3FAA] =	sst s1  }
0xa: {  	[smem:$0x3FAB] =	sst s2  }
0xb: {  	[smem:$0x3FAC] =	sst s3  }
0xc: {  	[smem:$0x3FAD] =	sst s4  }
0xd: {  	[smem:$0x3FAE] =	sst s5  }
0xe: {  	[smem:$0x3FAF] =	sst s6  }
0xf: {  	[smem:$0x3FB0] =	sst s7  }
0x10: {  	[smem:$0x3FB1] =	sst s8  }
0x11: {  	[smem:$0x3FB2] =	sst s9;
	s0 =	simm.s32 @!p0 $0x0  }
0x12: {  	s1 =	sld [smem:$0x3F98];
	s0 =	simm.s32 @p0 $0x1  }
0x13: {  	[smem:$0x3FB3] =	sst s0;
	s0 =	simm.s32 @!p1 $0x0  }
0x14: {  	s2 =	sld [smem:$0x3F97];
	s0 =	simm.s32 @p1 $0x1  }
0x15: {  	[smem:$0x3FB4] =	sst s0;
	s0 =	simm.s32 @!p2 $0x0  }
0x16: {  	s3 =	sld [smem:$0x3FDB];
	s0 =	simm.s32 @p2 $0x1  }
0x17: {  	s4 =	simm.s32 $0x1BF5;
	[smem:$0x3FB6] =	sst s0  }
0x18: {  	s0 =	sld [smem:$0x3F99];
	_ =	swait.ge [sflag:s4], $0x0  }
0x19: {  	s7 =	sld [smem:$0x3F9A]  }
0x1a: {  	s8 =	sadd.s32 $0xFFFFE003, lr  }
0x1b: {  	s9 =	sadd.s32 $0xFFFFFEF7, lr;
	s5 =	simm.s32 $0xFFFFFFFF;
	p2 =	slt.u32 s8, $0xFFFFF086  }
0x1c: {  	p1 =	slt.u32 s9, $0xF7A;
	s5 =	simm.s32 @!p2 $0x0  }
0x1d: {  	s5 =	simm.s32 @p1 $0x1;
	p0 =	seq.s32 s7, s2  }
0x1e: {  	s7 =	smul.u32 @!p0 $0xF7A, s2;
	p2 =	seq.s32 @!p0 s5, $0x0  }
0x1f: {  	s9 =	smul.u32 $0xF7A, s1;
	s8 =	simm.s32 @!p0 $0x1BF5;
	p2 =	por !p2, p0  }
0x20: {  	[sflag:s8] =	ssyncset.s32 @!p0 $0xFFFFF086;
	s6 =	sadd.s32 @!p0 s3, s7;
	s7 =	simm.s32 @!p0 $0x108  }
0x21: {  	s3 =	sadd.s32 s3, s9;
	s6 =	sadd.s32 @!p0 $0x88, s6;
	s7 =	simm.s32 @p2 $0x1082  }
0x22: {  	[simem:s7], [sflag:s8] =	dma.local @!p0 [hbm:s6], $0xF7A  }
0x23: {  	s9 =	sor.u32 $0xD0000000, s2;
	s6 =	simm.s32 $0x108;
	_ =	swait.ge @!p0 [sflag:s8], $0x0  }
0x24: {  	s3 =	sadd.s32 $0x88, s3;
	s6 =	simm.s32 @!p1 $0x1082;
	[sflag:s4] =	ssyncset.s32 $0xFFFFF086  }
0x25: {  	[simem:s6], [sflag:s4] =	dma.local [hbm:s3], $0xF7A  }
0x26: {  	[smem:$0x3F9A] =	sst s1;
	(tag) =	ssettag s2;
	_ =	strace s9  }
0x27: {  	s1 =	sld [smem:$0x3FAA]  }
0x28: {  	s2 =	sld [smem:$0x3FAB]  }
0x29: {  	s4 =	sld [smem:$0x3FAD]  }
0x2a: {  	p0 =	seq.s32 s5, $0x0;
	s5 =	sld [smem:$0x3FAE]  }
0x2b: {  	s6 =	sld [smem:$0x3FAF]  }
0x2c: {  	s7 =	sld [smem:$0x3FB0]  }
0x2d: {  	s3 =	simm.s32 $0x108;
	s8 =	sld [smem:$0x3FB1]  }
0x2e: {  	s3 =	simm.s32 @!p0 $0x1082;
	s9 =	sld [smem:$0x3FB2]  }
0x2f: {  	lr =	sadd.s32 s0, s3;
	s0 =	sld [smem:$0x3FA9]  }
0x30: {  	s3 =	sld [smem:$0x3FAC]  }
0x31: {  	[smem:$0x3FB5] =	sst s10  }
0x32: {  	s10 =	sld [smem:$0x3FB3];
	_ =	sdelay $0x3  }
0x33: {  	p0 =	seq.s32 s10, $0x1;
	s10 =	sld [smem:$0x3FB5];
	_ =	sdelay $0x3  }
0x34: {  	[smem:$0x3FB5] =	sst s10  }
0x35: {  	s10 =	sld [smem:$0x3FB4];
	_ =	sdelay $0x3  }
0x36: {  	p1 =	seq.s32 s10, $0x1;
	s10 =	sld [smem:$0x3FB5];
	_ =	sdelay $0x3  }
0x37: {  	[smem:$0x3FB5] =	sst s10  }
0x38: {  	s10 =	sld [smem:$0x3FB6]  }
0x39: {  	_ = 	snop;
	(pc) =	sbr.ind lr, $3  }
0x3a: {  	_ = 	snop  }
0x3b: {  	_ = 	snop  }
0x3c: {  	p2 =	seq.s32 s10, $0x1;
	s10 =	sld [smem:$0x3FB5]  }
0x3d: {  	_ =	shalt  }
0x3e: {  	_ =	shalt  }
0x3f: {  	_ =	shalt  }
0x40: {  	_ =	shalt  }
0x41: {  	_ =	shalt  }
0x42: {  	_ =	shalt  }
0x43: {  	_ =	shalt  }
0x44: {  	_ =	shalt  }
0x45: {  	_ =	shalt  }
0x46: {  	_ =	shalt  }
0x47: {  	_ =	shalt  }
0x48: {  	_ =	shalt  }
0x49: {  	_ =	shalt  }
0x4a: {  	_ =	shalt  }
0x4b: {  	_ =	shalt  }
0x4c: {  	_ =	shalt  }
0x4d: {  	_ =	shalt  }
0x4e: {  	_ =	shalt  }
0x4f: {  	_ =	shalt  }
0x50: {  	_ =	shalt  }
0x51: {  	_ =	shalt  }
0x52: {  	_ =	shalt  }
0x53: {  	_ =	shalt  }
0x54: {  	_ =	shalt  }
0x55: {  	_ =	shalt  }
0x56: {  	_ =	shalt  }
0x57: {  	_ =	shalt  }
0x58: {  	_ =	shalt  }
0x59: {  	_ =	shalt  }
0x5a: {  	_ =	shalt  }
0x5b: {  	_ =	shalt  }
0x5c: {  	_ =	shalt  }
0x5d: {  	_ =	shalt  }
0x5e: {  	_ =	shalt  }
0x5f: {  	_ =	shalt  }
0x60: {  	_ =	shalt  }
0x61: {  	_ =	shalt  }
0x62: {  	_ =	shalt  }
0x63: {  	_ =	shalt  }
0x64: {  	_ =	shalt  }
0x65: {  	_ =	shalt  }
0x66: {  	_ =	shalt  }
0x67: {  	_ =	shalt  }
0x68: {  	_ =	shalt  }
0x69: {  	_ =	shalt  }
0x6a: {  	_ =	shalt  }
0x6b: {  	_ =	shalt  }
0x6c: {  	_ =	shalt  }
0x6d: {  	_ =	shalt  }
0x6e: {  	_ =	shalt  }
0x6f: {  	_ =	shalt  }
0x70: {  	_ =	shalt  }
0x71: {  	_ =	shalt  }
0x72: {  	_ =	shalt  }
0x73: {  	_ =	shalt  }
0x74: {  	_ =	shalt  }
0x75: {  	_ =	shalt  }
0x76: {  	_ =	shalt  }
0x77: {  	_ =	shalt  }
0x78: {  	_ =	shalt  }
0x79: {  	_ =	shalt  }
0x7a: {  	_ =	shalt  }
0x7b: {  	_ =	shalt  }
0x7c: {  	_ =	shalt  }
0x7d: {  	_ =	shalt  }
0x7e: {  	_ =	shalt  }
0x7f: {  	_ =	shalt  }
0x80: {  	_ =	shalt  }
0x81: {  	_ =	shalt  }
0x82: {  	_ =	shalt  }
0x83: {  	_ =	shalt  }
0x84: {  	_ =	shalt  }
0x85: {  	_ =	shalt  }
0x86: {  	_ =	shalt  }
0x87: {  	_ =	shalt  }
.Lfunc_end0:
.L_simem_size_0:
called_computation_lowered:
.L_overlay_start_0:
0x88: {  	s2 =	sld [smem:$0x3FD9]  }
0x89: {  	s3 =	sld [smem:$0x3FFE];
	_ =	sdelay $0x1  }
0x8a: {  	s1 =	srdreg.scid  }
0x8b: {  	s0 =	sand.u32 $0x1, s1  }
0x8c: {  	s17 =	sshll.u32 s0, $0xA;
	s2 =	sadd.s32 s3, s2  }
0x8d: {  	s2 =	sadd.s32 s2, s17  }
0x8e: {  	[smem:$0x3FC1] =	sst s2  }
0x8f: {  	_ = 	snop  }
0x90: {  	s2 =	sld [smem:$0x3FC7]  }
0x91: {  	s18 =	sld [smem:$0x3FD0];
	(tm) =	ssettm $0x1  }
0x92: {  	s4 =	sld [smem:$0x3FFB];
	_ =	sdelay $0x3  }
0x93: {  	_ =	strace s4  }
0x94: {  	s4 =	sld [smem:$0x3FFC];
	_ =	sdelay $0x3  }
0x95: {  	_ =	strace s4  }
0x96: {  	s4 =	sld [smem:$0x3FFD];
	_ =	sdelay $0x3  }
0x97: {  	_ =	strace s4  }
0x98: {  	_ =	strace $0x8FFFFFFF  }
0x99: {  	s19 =	sld [smem:$0x3FDB];
	_ =	sdelay $0x1  }
0x9a: {  	s5 =	simm.s32 $_scs_section_size  }
0x9b: {  	s6 =	simm.s32 $_size__tile_overlayer_lowered;
	s7 =	simm.s32 $_tile_overlayer_lowered  }
0x9c: {  	s22 =	simm.s32 $0x1BFF;
	s21 =	sshll.u32 s7, $0x1;
	s4 =	sadd.s32 s5, s19  }
0x9d: {  	s8 =	simm.s32 $0x0;
	s20 =	sshll.u32 s6, $0x1;
	s6 =	sadd.s32 s21, s4  }
0x9e: {  	[timem:s8], [sflag:s22] =	dma.local [hbm:s6], s20  }
0x9f: {  	_ =	swait.ge [sflag:s22], s20  }
0xa0: {  	s5 =	ssub.s32 $0x0, s20;
	[sflag:s22] =	ssyncset.done $0x0  }
0xa1: {  	[sflag:s22] =	ssyncadd.s32 s5;
	_ =	sdelay $0x1  }
0xa2: {  	s23 =	simm.s32 $0x1B8B  }
0xa3: {  	_ =	swait.ge [sflag:s23], $0x1  }
0xa4: {  	[sflag:s23] =	ssyncset.done $0x0  }
0xa5: {  	s25 =	simm.s32 $0x1B8E;
	s24 =	sld [smem:$0x3FFE];
	[sflag:s23] =	ssyncadd.s32 $0xFFFFFFFF  }
0xa6: {  	s26 =	simm.s32 $execute0_lowered;
	[smem:$0x3FD2] =	sst s25  }
0xa7: {  	s6 =	sshll.u32 s26, $0x1;
	_ =	strace $0x80000046;
	[dreg:$0x1] =	wrdreg $0xFFFFFFFF  }
0xa8: {  	s28 =	simm.s32 $_size_execute0_lowered;
	s4 =	sadd.s32 s4, s6;
	[dreg:$0x0] =	wrdreg $0x0  }
0xa9: {  	s6 =	sshll.u32 s28, $0x1;
	[dreg:$0x2] =	wrdreg s4  }
0xaa: {  	[dreg:$0x3] =	wrdreg s6  }
0xab: {  	[dreg:$0x4] =	wrdreg $0xC0  }
0xac: {  	_ =	task [dreg:s8], $0x5FFFF  }
0xad: {  	[dreg:$0x1] =	wrdreg $0xFFFFFFFF  }
0xae: {  	[dreg:$0x0] =	wrdreg $0x60  }
0xaf: {  	[dreg:$0x2] =	wrdreg s18  }
0xb0: {  	[dreg:$0x3] =	wrdreg s2  }
0xb1: {  	[dreg:$0x4] =	wrdreg s24  }
0xb2: {  	[dreg:$0x5] =	wrdreg $0x9  }
0xb3: {  	_ =	task.clear_ibuf [dreg:s8], $0x6FFFF;
	_ =	strace $0x90000046  }
0xb4: {  	s29 =	simm.s32 $0x9;
	_ =	strace $0x80000048  }
0xb5: {  	_ =	swait.ge [sflag:s29], $0x1  }
0xb6: {  	[sflag:s29] =	ssyncadd.s32 $0xFFFFFFFF  }
0xb7: {  	_ =	strace $0x90000048  }
0xb8: {  	_ =	sfence  }
0xb9: {  	s30 =	sld [smem:$0x0];
	_ =	sdelay $0x2  }
0xba: {  	s31 =	sshll.u32 s1, $0xD;
	s1 =	sshrl.u32 s1, $0x2  }
0xbb: {  	s3 =	sand.u32 $0x4000, s31;
	s1 =	sadd.s32 s1, s30  }
0xbc: {  	s0 =	sor.u32 s3, s0;
	s1 =	sshll.u32 s1, $0x11  }
0xbd: {  	s0 =	sor.u32 s1, s0  }
0xbe: {  	s0 =	sadd.s32 $0x8F2B, s0  }
0xbf: {  	[sflag:s0] =	ssyncadd.remote.s32 $0x1  }
0xc0: {  	_ =	sfence.sel $0xFFFF  }
0xc1: {  	[dreg:$0x0] =	wrdreg $0xFFFFFFFF;
	(pc) =	sbr.abs _section_cstart, $3  }
0xc2: {  	[dreg:$0x1] =	wrdreg $0xFFFFFFFF  }
0xc3: {  	_ =	task.clear_ibuf [dreg:s8], $0x2FFFF;
	_ =	strace $0x9FFFFFFF  }
0xc4: {  	(tm) =	ssettm $0x7FFFFFFF  }
0xc5: {  	_ =	shalt  }
tec
execute0_lowered:
.L_overlay_start_1:
0x0: {  	(tag) =	ssettag $0x1  }
0x1: {  	s1 =	rddreg [dreg:$0x0]  }
0x2: {  	s0 =	srdreg.scid;
	s2 =	rddreg [dreg:$0x1]  }
0x3: {  	s3 =	stileid.u32;
	s5 =	rddreg [dreg:$0x2];
	s0 =	sand.u32 $0x1, s0  }
0x4: {  	s29 =	simm.s32 $0x4100;
	s3 =	sshll.u32 s3, $0x6;
	s4 =	sshll.u32 s0, $0x5  }
0x5: {  	s30 =	simm.s32 $0x4900;
	s31 =	simm.s32 $0x5100;
	s4 =	sor.u32 s4, s3  }
0x6: {  	s28 =	simm.s32 $0xB900;
	s3 =	simm.s32 $0x0;
	s6 =	smul.u32 $0x300, s4  }
0x7: {  	s5 =	sadd.s32 $0xE00, s5;
	[smem:$0x7FF] =	sst s3;
	s1 =	sadd.s32 s1, s4  }
0x8: {  	_ =	strace $0x80000047;
	[dreg:$0x4] =	wrdreg s1;
	s6 =	sadd.s32 s5, s6  }
0x9: {  	s10 =	simm.s32 $0xF100;
	s11 =	sadd.s32 $0x600, s6;
	[dreg:$0x14] =	wrdreg s6  }
0xa: {  	s4 =	smul.u32 $0x1800, s4;
	s12 =	sadd.s32 $0xC00, s6;
	[dreg:$0x5] =	wrdreg s11  }
0xb: {  	s8 =	simm.s32 $0x12100;
	s13 =	sadd.s32 $0x1200, s6;
	[dreg:$0x6] =	wrdreg s12  }
0xc: {  	s4 =	sshrl.u32 s4, $0x3;
	s14 =	sadd.s32 $0x1800, s6;
	[dreg:$0x7] =	wrdreg s13  }
0xd: {  	s15 =	sadd.s32 $0x1E00, s6;
	s4 =	sadd.s32 s5, s4;
	[dreg:$0x8] =	wrdreg s14  }
0xe: {  	s0 =	ssub.s32 $0x2, s0;
	[dreg:$0x9] =	wrdreg s15;
	s16 =	sadd.s32 $0x2400, s4  }
0xf: {  	s23 =	sshrl.u32 s0, $0x1;
	s17 =	sadd.s32 $0x2A00, s4;
	[dreg:$0xa] =	wrdreg s16  }
0x10: {  	s0 =	ssub.s32 s0, s23;
	s18 =	sadd.s32 $0x3000, s4;
	[dreg:$0xb] =	wrdreg s17  }
0x11: {  	s23 =	simm.s32 $0x2100;
	s19 =	sadd.s32 $0x3600, s4;
	[dreg:$0xc] =	wrdreg s18  }
0x12: {  	s7 =	smax.u32 s0, $0x1;
	s20 =	sadd.s32 $0x3C00, s4;
	[dreg:$0xd] =	wrdreg s19  }
0x13: {  	s1 =	simm.s32 $0x15100;
	s21 =	sadd.s32 $0x4200, s4;
	[dreg:$0xe] =	wrdreg s20  }
0x14: {  	s5 =	sadd.s32 $0x100, s2;
	s22 =	sadd.s32 $0x4800, s4;
	[dreg:$0xf] =	wrdreg s21  }
0x15: {  	s6 =	sadd.s32 $0x200, s2;
	s24 =	sadd.s32 $0x4E00, s4;
	[dreg:$0x10] =	wrdreg s22  }
0x16: {  	s25 =	sadd.s32 $0x5400, s4;
	s26 =	sadd.s32 $0x5A00, s4;
	[dreg:$0x11] =	wrdreg s24  }
0x17: {  	s4 =	simm.s32 $0x2;
	s13 =	simm.s32 $0x7900;
	[dreg:$0x12] =	wrdreg s25  }
0x18: {  	s14 =	simm.s32 $0x8100;
	s15 =	simm.s32 $0x8900;
	[dreg:$0x13] =	wrdreg s26  }
0x19: {  	v2 =	vlaneseq.u32;
	s16 =	simm.s32 $0x1;
	s19 =	simm.s32 $0x900;
	s20 =	simm.s32 $0x1100  }
0x1a: {  	vm0 =	vmmov $0xffff;
	v1 =	vshrl.u32 v2, $0x3;
	s22 =	simm.s32 $0x1900;
	s25 =	simm.s32 $0x2900;
	s26 =	simm.s32 $0x3900  }
0x1b: {  	v0 =	vand.u32 $0x7, v2;
	v2 =	vor.u32 $0x8, v2;
	v1 =	vmul.u32 $0x8, v1;
	s21 =	simm.s32 $0x9900;
	s24 =	simm.s32 $0xA900;
	s17 =	simm.s32 $0xC100  }
.LBB2_1:
0x1c: {  	s18 =	rddreg [dreg:$0x4];
	s0 =	simm.s32 $0x3  }
0x1d: {  	[tilespmem:s3], [sflag:$0x3] =	stream.linear.gather [hbm4b:s18+s3], $0x100, $0x38;
	[tilespmem:$0x18100] =	vst v63  }
0x1e: {  	_ =	swait.ge [sflag:s0], $0x100  }
0x1f: {  	[sflag:s0] =	ssyncset.done $0x0  }
0x20: {  	[sflag:s0] =	ssyncadd.s32 $0xFFFFFF00  }
0x21: {  	v3 =	vld [tilespmem:$0x0];
	_ =	sdelay $0x4  }
0x22: {  	v4 =	vshrl.u32 v3, $0x3  }
0x23: {  	v4 =	vmul.u32 $0x30, v4  }
0x24: {  	v3 =	vand.u32 $0x7, v3  }
0x25: {  	v3 =	vor.u32 v3, v4  }
0x26: {  	v4 =	vperm.xlane v3, v0;
	_ =	sdelay $0x1  }
0x27: {  	v4 =	vadd.s32 v1, v4;
	_ =	sdelay $0x3  }
0x28: {  	s9 =	simm.s32 $0x100;
	v3 =	vperm.xlane v3, v2  }
0x29: {  	[tilespmem:s9], [sflag:$0x1] =	stream.indirect_vreg.gather [hbm4b:s2+s3], $0x80, v4, vm0, $0xb8;
	[tilespmem:$0x18100] =	vst v63  }
0x2a: {  	v3 =	vadd.s32 v1, v3  }
0x2b: {  	[tilespmem:s19], [sflag:$0x1] =	stream.indirect_vreg.gather [hbm4b:s5+s3], $0x80, v4, vm0, $0xb8;
	[tilespmem:$0x18100] =	vst v63  }
0x2c: {  	_ = 	snop  }
0x2d: {  	[tilespmem:s20], [sflag:$0x1] =	stream.indirect_vreg.gather [hbm4b:s6+s3], $0x80, v4, vm0, $0xb8;
	[tilespmem:$0x18100] =	vst v63  }
0x2e: {  	_ = 	snop  }
0x2f: {  	[tilespmem:s22], [sflag:$0x1] =	stream.indirect_vreg.gather [hbm4b:s2+s3], $0x80, v3, vm0, $0xb8;
	[tilespmem:$0x18100] =	vst v63  }
0x30: {  	_ = 	snop  }
0x31: {  	[tilespmem:s23], [sflag:$0x1] =	stream.indirect_vreg.gather [hbm4b:s5+s3], $0x80, v3, vm0, $0xb8;
	[tilespmem:$0x18100] =	vst v63  }
0x32: {  	_ = 	snop  }
0x33: {  	[tilespmem:s25], [sflag:$0x1] =	stream.indirect_vreg.gather [hbm4b:s6+s3], $0x80, v3, vm0, $0xb8;
	[tilespmem:$0x18100] =	vst v63  }
0x34: {  	v3 =	vld [tilespmem:$0x10];
	_ =	sdelay $0x4  }
0x35: {  	v49 =	vshrl.u32 v3, $0x3  }
0x36: {  	v4 =	vmul.u32 $0x30, v49  }
0x37: {  	v3 =	vand.u32 $0x7, v3  }
0x38: {  	v3 =	vor.u32 v3, v4  }
0x39: {  	v4 =	vperm.xlane v3, v0;
	_ =	sdelay $0x1  }
0x3a: {  	v4 =	vadd.s32 v1, v4;
	_ =	sdelay $0x3  }
0x3b: {  	s11 =	simm.s32 $0x3100;
	v3 =	vperm.xlane v3, v2  }
0x3c: {  	[tilespmem:s11], [sflag:$0x1] =	stream.indirect_vreg.gather [hbm4b:s2+s3], $0x80, v4, vm0, $0xb8;
	[tilespmem:$0x18100] =	vst v63  }
0x3d: {  	v3 =	vadd.s32 v1, v3  }
0x3e: {  	[tilespmem:s26], [sflag:$0x1] =	stream.indirect_vreg.gather [hbm4b:s5+s3], $0x80, v4, vm0, $0xb8;
	[tilespmem:$0x18100] =	vst v63  }
0x3f: {  	_ = 	snop  }
0x40: {  	[tilespmem:s29], [sflag:$0x1] =	stream.indirect_vreg.gather [hbm4b:s6+s3], $0x80, v4, vm0, $0xb8;
	[tilespmem:$0x18100] =	vst v63  }
0x41: {  	_ = 	snop  }
0x42: {  	[tilespmem:s30], [sflag:$0x1] =	stream.indirect_vreg.gather [hbm4b:s2+s3], $0x80, v3, vm0, $0xb8;
	[tilespmem:$0x18100] =	vst v63  }
0x43: {  	_ = 	snop  }
0x44: {  	[tilespmem:s31], [sflag:$0x1] =	stream.indirect_vreg.gather [hbm4b:s5+s3], $0x80, v3, vm0, $0xb8;
	[tilespmem:$0x18100] =	vst v63  }
0x45: {  	s9 =	simm.s32 $0x5900  }
0x46: {  	[tilespmem:s9], [sflag:$0x1] =	stream.indirect_vreg.gather [hbm4b:s6+s3], $0x80, v3, vm0, $0xb8;
	[tilespmem:$0x18100] =	vst v63  }
0x47: {  	v3 =	vld [tilespmem:$0x20];
	_ =	sdelay $0x4  }
0x48: {  	v50 =	vshrl.u32 v3, $0x3  }
0x49: {  	v4 =	vmul.u32 $0x30, v50  }
0x4a: {  	v3 =	vand.u32 $0x7, v3  }
0x4b: {  	v3 =	vor.u32 v3, v4  }
0x4c: {  	v4 =	vperm.xlane v3, v0;
	_ =	sdelay $0x1  }
0x4d: {  	v4 =	vadd.s32 v1, v4;
	_ =	sdelay $0x3  }
0x4e: {  	s12 =	simm.s32 $0x6100;
	v3 =	vperm.xlane v3, v2  }
0x4f: {  	[tilespmem:s12], [sflag:$0x1] =	stream.indirect_vreg.gather [hbm4b:s2+s3], $0x80, v4, vm0, $0xb8;
	[tilespmem:$0x18100] =	vst v63  }
0x50: {  	s11 =	simm.s32 $0x6900;
	v3 =	vadd.s32 v1, v3  }
0x51: {  	[tilespmem:s11], [sflag:$0x1] =	stream.indirect_vreg.gather [hbm4b:s5+s3], $0x80, v4, vm0, $0xb8;
	[tilespmem:$0x18100] =	vst v63  }
0x52: {  	s12 =	simm.s32 $0x7100  }
0x53: {  	[tilespmem:s12], [sflag:$0x1] =	stream.indirect_vreg.gather [hbm4b:s6+s3], $0x80, v4, vm0, $0xb8;
	[tilespmem:$0x18100] =	vst v63  }
0x54: {  	_ = 	snop  }
0x55: {  	[tilespmem:s13], [sflag:$0x1] =	stream.indirect_vreg.gather [hbm4b:s2+s3], $0x80, v3, vm0, $0xb8;
	[tilespmem:$0x18100] =	vst v63  }
0x56: {  	_ = 	snop  }
0x57: {  	[tilespmem:s14], [sflag:$0x1] =	stream.indirect_vreg.gather [hbm4b:s5+s3], $0x80, v3, vm0, $0xb8;
	[tilespmem:$0x18100] =	vst v63  }
0x58: {  	_ = 	snop  }
0x59: {  	[tilespmem:s15], [sflag:$0x1] =	stream.indirect_vreg.gather [hbm4b:s6+s3], $0x80, v3, vm0, $0xb8;
	[tilespmem:$0x18100] =	vst v63  }
0x5a: {  	v3 =	vld [tilespmem:$0x30];
	_ =	sdelay $0x4  }
0x5b: {  	v51 =	vshrl.u32 v3, $0x3  }
0x5c: {  	v4 =	vmul.u32 $0x30, v51  }
0x5d: {  	v3 =	vand.u32 $0x7, v3  }
0x5e: {  	v3 =	vor.u32 v3, v4  }
0x5f: {  	v4 =	vperm.xlane v3, v0;
	_ =	sdelay $0x1  }
0x60: {  	v4 =	vadd.s32 v1, v4;
	_ =	sdelay $0x3  }
0x61: {  	s18 =	simm.s32 $0x9100;
	v3 =	vperm.xlane v3, v2  }
0x62: {  	[tilespmem:s18], [sflag:$0x1] =	stream.indirect_vreg.gather [hbm4b:s2+s3], $0x80, v4, vm0, $0xb8;
	[tilespmem:$0x18100] =	vst v63  }
0x63: {  	v3 =	vadd.s32 v1, v3  }
0x64: {  	[tilespmem:s21], [sflag:$0x1] =	stream.indirect_vreg.gather [hbm4b:s5+s3], $0x80, v4, vm0, $0xb8;
	[tilespmem:$0x18100] =	vst v63  }
0x65: {  	s18 =	simm.s32 $0xA100  }
0x66: {  	[tilespmem:s18], [sflag:$0x1] =	stream.indirect_vreg.gather [hbm4b:s6+s3], $0x80, v4, vm0, $0xb8;
	[tilespmem:$0x18100] =	vst v63  }
0x67: {  	_ = 	snop  }
0x68: {  	[tilespmem:s24], [sflag:$0x1] =	stream.indirect_vreg.gather [hbm4b:s2+s3], $0x80, v3, vm0, $0xb8;
	[tilespmem:$0x18100] =	vst v63  }
0x69: {  	s18 =	simm.s32 $0xB100  }
0x6a: {  	[tilespmem:s18], [sflag:$0x1] =	stream.indirect_vreg.gather [hbm4b:s5+s3], $0x80, v3, vm0, $0xb8;
	[tilespmem:$0x18100] =	vst v63  }
0x6b: {  	_ = 	snop  }
0x6c: {  	[tilespmem:s28], [sflag:$0x1] =	stream.indirect_vreg.gather [hbm4b:s6+s3], $0x80, v3, vm0, $0xb8;
	[tilespmem:$0x18100] =	vst v63  }
0x6d: {  	v3 =	vld [tilespmem:$0x40];
	_ =	sdelay $0x4  }
0x6e: {  	v52 =	vshrl.u32 v3, $0x3  }
0x6f: {  	v4 =	vmul.u32 $0x30, v52  }
0x70: {  	v3 =	vand.u32 $0x7, v3  }
0x71: {  	v3 =	vor.u32 v3, v4  }
0x72: {  	v4 =	vperm.xlane v3, v0;
	_ =	sdelay $0x1  }
0x73: {  	v4 =	vadd.s32 v1, v4;
	_ =	sdelay $0x3  }
0x74: {  	v3 =	vperm.xlane v3, v2  }
0x75: {  	[tilespmem:s17], [sflag:$0x1] =	stream.indirect_vreg.gather [hbm4b:s2+s3], $0x80, v4, vm0, $0xb8;
	[tilespmem:$0x18100] =	vst v63  }
0x76: {  	s18 =	simm.s32 $0xC900;
	v3 =	vadd.s32 v1, v3  }
0x77: {  	[tilespmem:s18], [sflag:$0x1] =	stream.indirect_vreg.gather [hbm4b:s5+s3], $0x80, v4, vm0, $0xb8;
	[tilespmem:$0x18100] =	vst v63  }
0x78: {  	s18 =	simm.s32 $0xD100  }
0x79: {  	[tilespmem:s18], [sflag:$0x1] =	stream.indirect_vreg.gather [hbm4b:s6+s3], $0x80, v4, vm0, $0xb8;
	[tilespmem:$0x18100] =	vst v63  }
0x7a: {  	s18 =	simm.s32 $0xD900  }
0x7b: {  	[tilespmem:s18], [sflag:$0x1] =	stream.indirect_vreg.gather [hbm4b:s2+s3], $0x80, v3, vm0, $0xb8;
	[tilespmem:$0x18100] =	vst v63  }
0x7c: {  	s18 =	simm.s32 $0xE100  }
0x7d: {  	[tilespmem:s18], [sflag:$0x1] =	stream.indirect_vreg.gather [hbm4b:s5+s3], $0x80, v3, vm0, $0xb8;
	[tilespmem:$0x18100] =	vst v63  }
0x7e: {  	s18 =	simm.s32 $0xE900  }
0x7f: {  	[tilespmem:s18], [sflag:$0x1] =	stream.indirect_vreg.gather [hbm4b:s6+s3], $0x80, v3, vm0, $0xb8;
	[tilespmem:$0x18100] =	vst v63  }
0x80: {  	v3 =	vld [tilespmem:$0x50];
	_ =	sdelay $0x4  }
0x81: {  	v53 =	vshrl.u32 v3, $0x3  }
0x82: {  	v4 =	vmul.u32 $0x30, v53  }
0x83: {  	v3 =	vand.u32 $0x7, v3  }
0x84: {  	v3 =	vor.u32 v3, v4  }
0x85: {  	v4 =	vperm.xlane v3, v0;
	_ =	sdelay $0x1  }
0x86: {  	v4 =	vadd.s32 v1, v4;
	_ =	sdelay $0x3  }
0x87: {  	v3 =	vperm.xlane v3, v2  }
0x88: {  	[tilespmem:s10], [sflag:$0x1] =	stream.indirect_vreg.gather [hbm4b:s2+s3], $0x80, v4, vm0, $0xb8;
	[tilespmem:$0x18100] =	vst v63  }
0x89: {  	s18 =	simm.s32 $0xF900;
	v3 =	vadd.s32 v1, v3  }
0x8a: {  	[tilespmem:s18], [sflag:$0x1] =	stream.indirect_vreg.gather [hbm4b:s5+s3], $0x80, v4, vm0, $0xb8;
	[tilespmem:$0x18100] =	vst v63  }
0x8b: {  	s18 =	simm.s32 $0x10100  }
0x8c: {  	[tilespmem:s18], [sflag:$0x1] =	stream.indirect_vreg.gather [hbm4b:s6+s3], $0x80, v4, vm0, $0xb8;
	[tilespmem:$0x18100] =	vst v63  }
0x8d: {  	s18 =	simm.s32 $0x10900  }
0x8e: {  	[tilespmem:s18], [sflag:$0x1] =	stream.indirect_vreg.gather [hbm4b:s2+s3], $0x80, v3, vm0, $0xb8;
	[tilespmem:$0x18100] =	vst v63  }
0x8f: {  	s18 =	simm.s32 $0x11100  }
0x90: {  	[tilespmem:s18], [sflag:$0x1] =	stream.indirect_vreg.gather [hbm4b:s5+s3], $0x80, v3, vm0, $0xb8;
	[tilespmem:$0x18100] =	vst v63  }
0x91: {  	s18 =	simm.s32 $0x11900  }
0x92: {  	[tilespmem:s18], [sflag:$0x1] =	stream.indirect_vreg.gather [hbm4b:s6+s3], $0x80, v3, vm0, $0xb8;
	[tilespmem:$0x18100] =	vst v63  }
0x93: {  	v3 =	vld [tilespmem:$0x60];
	_ =	sdelay $0x4  }
0x94: {  	v54 =	vshrl.u32 v3, $0x3  }
0x95: {  	v4 =	vmul.u32 $0x30, v54  }
0x96: {  	v3 =	vand.u32 $0x7, v3  }
0x97: {  	v3 =	vor.u32 v3, v4  }
0x98: {  	v4 =	vperm.xlane v3, v0;
	_ =	sdelay $0x1  }
0x99: {  	v4 =	vadd.s32 v1, v4;
	_ =	sdelay $0x3  }
0x9a: {  	v3 =	vperm.xlane v3, v2  }
0x9b: {  	[tilespmem:s8], [sflag:$0x1] =	stream.indirect_vreg.gather [hbm4b:s2+s3], $0x80, v4, vm0, $0xb8;
	[tilespmem:$0x18100] =	vst v63  }
0x9c: {  	s18 =	simm.s32 $0x12900;
	v3 =	vadd.s32 v1, v3  }
0x9d: {  	[tilespmem:s18], [sflag:$0x1] =	stream.indirect_vreg.gather [hbm4b:s5+s3], $0x80, v4, vm0, $0xb8;
	[tilespmem:$0x18100] =	vst v63  }
0x9e: {  	s18 =	simm.s32 $0x13100  }
0x9f: {  	[tilespmem:s18], [sflag:$0x1] =	stream.indirect_vreg.gather [hbm4b:s6+s3], $0x80, v4, vm0, $0xb8;
	[tilespmem:$0x18100] =	vst v63  }
0xa0: {  	s18 =	simm.s32 $0x13900  }
0xa1: {  	[tilespmem:s18], [sflag:$0x1] =	stream.indirect_vreg.gather [hbm4b:s2+s3], $0x80, v3, vm0, $0xb8;
	[tilespmem:$0x18100] =	vst v63  }
0xa2: {  	s18 =	simm.s32 $0x14100  }
0xa3: {  	[tilespmem:s18], [sflag:$0x1] =	stream.indirect_vreg.gather [hbm4b:s5+s3], $0x80, v3, vm0, $0xb8;
	[tilespmem:$0x18100] =	vst v63  }
0xa4: {  	s18 =	simm.s32 $0x14900  }
0xa5: {  	[tilespmem:s18], [sflag:$0x1] =	stream.indirect_vreg.gather [hbm4b:s6+s3], $0x80, v3, vm0, $0xb8;
	[tilespmem:$0x18100] =	vst v63  }
0xa6: {  	v3 =	vld [tilespmem:$0x70];
	_ =	sdelay $0x4  }
0xa7: {  	v55 =	vshrl.u32 v3, $0x3  }
0xa8: {  	v4 =	vmul.u32 $0x30, v55  }
0xa9: {  	v3 =	vand.u32 $0x7, v3  }
0xaa: {  	v3 =	vor.u32 v3, v4  }
0xab: {  	v4 =	vperm.xlane v3, v0;
	_ =	sdelay $0x1  }
0xac: {  	v4 =	vadd.s32 v1, v4;
	_ =	sdelay $0x3  }
0xad: {  	v3 =	vperm.xlane v3, v2  }
0xae: {  	[tilespmem:s1], [sflag:$0x1] =	stream.indirect_vreg.gather [hbm4b:s2+s3], $0x80, v4, vm0, $0xb8;
	[tilespmem:$0x18100] =	vst v63  }
0xaf: {  	s18 =	simm.s32 $0x15900;
	v3 =	vadd.s32 v1, v3  }
0xb0: {  	[tilespmem:s18], [sflag:$0x1] =	stream.indirect_vreg.gather [hbm4b:s5+s3], $0x80, v4, vm0, $0xb8;
	[tilespmem:$0x18100] =	vst v63  }
0xb1: {  	s18 =	simm.s32 $0x16100  }
0xb2: {  	[tilespmem:s18], [sflag:$0x1] =	stream.indirect_vreg.gather [hbm4b:s6+s3], $0x80, v4, vm0, $0xb8;
	[tilespmem:$0x18100] =	vst v63  }
0xb3: {  	s18 =	simm.s32 $0x16900  }
0xb4: {  	[tilespmem:s18], [sflag:$0x1] =	stream.indirect_vreg.gather [hbm4b:s2+s3], $0x80, v3, vm0, $0xb8;
	[tilespmem:$0x18100] =	vst v63  }
0xb5: {  	s18 =	simm.s32 $0x17100  }
0xb6: {  	[tilespmem:s18], [sflag:$0x1] =	stream.indirect_vreg.gather [hbm4b:s5+s3], $0x80, v3, vm0, $0xb8;
	[tilespmem:$0x18100] =	vst v63  }
0xb7: {  	s18 =	simm.s32 $0x17900  }
0xb8: {  	[tilespmem:s18], [sflag:$0x1] =	stream.indirect_vreg.gather [hbm4b:s6+s3], $0x80, v3, vm0, $0xb8;
	[tilespmem:$0x18100] =	vst v63  }
0xb9: {  	_ =	swait.ge [sflag:s16], $0x3000  }
0xba: {  	[sflag:s16] =	ssyncset.done $0x0  }
0xbb: {  	s0 =	simm.s32 $0x100;
	s18 =	rddreg [dreg:$0x14];
	[sflag:s16] =	ssyncadd.s32 $0xFFFFD000  }
0xbc: {  	[hbm4b:s18+s3] =	stream.linear.scatter [tilespmem:s0], [sflag:$0x2], $0x3000, $0x38;
	[tilespmem:$0x18100] =	vst v63  }
0xbd: {  	_ =	swait.ge [sflag:s4], $0x3000  }
0xbe: {  	[sflag:s4] =	ssyncset.done $0x0  }
0xbf: {  	[sflag:s4] =	ssyncadd.s32 $0xFFFFD000  }
0xc0: {  	v3 =	vld [tilespmem:$0x80];
	_ =	sdelay $0x4  }
0xc1: {  	v56 =	vshrl.u32 v3, $0x3  }
0xc2: {  	v4 =	vmul.u32 $0x30, v56  }
0xc3: {  	v3 =	vand.u32 $0x7, v3  }
0xc4: {  	v3 =	vor.u32 v3, v4  }
0xc5: {  	v4 =	vperm.xlane v3, v0;
	_ =	sdelay $0x1  }
0xc6: {  	v4 =	vadd.s32 v1, v4;
	_ =	sdelay $0x3  }
0xc7: {  	v3 =	vperm.xlane v3, v2  }
0xc8: {  	[tilespmem:s0], [sflag:$0x1] =	stream.indirect_vreg.gather [hbm4b:s2+s3], $0x80, v4, vm0, $0xb8;
	[tilespmem:$0x18100] =	vst v63  }
0xc9: {  	v3 =	vadd.s32 v1, v3  }
0xca: {  	[tilespmem:s19], [sflag:$0x1] =	stream.indirect_vreg.gather [hbm4b:s5+s3], $0x80, v4, vm0, $0xb8;
	[tilespmem:$0x18100] =	vst v63  }
0xcb: {  	_ = 	snop  }
0xcc: {  	[tilespmem:s20], [sflag:$0x1] =	stream.indirect_vreg.gather [hbm4b:s6+s3], $0x80, v4, vm0, $0xb8;
	[tilespmem:$0x18100] =	vst v63  }
0xcd: {  	_ = 	snop  }
0xce: {  	[tilespmem:s22], [sflag:$0x1] =	stream.indirect_vreg.gather [hbm4b:s2+s3], $0x80, v3, vm0, $0xb8;
	[tilespmem:$0x18100] =	vst v63  }
0xcf: {  	_ = 	snop  }
0xd0: {  	[tilespmem:s23], [sflag:$0x1] =	stream.indirect_vreg.gather [hbm4b:s5+s3], $0x80, v3, vm0, $0xb8;
	[tilespmem:$0x18100] =	vst v63  }
0xd1: {  	_ = 	snop  }
0xd2: {  	[tilespmem:s25], [sflag:$0x1] =	stream.indirect_vreg.gather [hbm4b:s6+s3], $0x80, v3, vm0, $0xb8;
	[tilespmem:$0x18100] =	vst v63  }
0xd3: {  	_ =	swait.ge [sflag:s16], $0x3000  }
0xd4: {  	[sflag:s16] =	ssyncset.done $0x0  }
0xd5: {  	s0 =	simm.s32 $0x3100;
	s18 =	rddreg [dreg:$0x5];
	[sflag:s16] =	ssyncadd.s32 $0xFFFFD000  }
0xd6: {  	[hbm4b:s18+s3] =	stream.linear.scatter [tilespmem:s0], [sflag:$0x2], $0x3000, $0x38;
	[tilespmem:$0x18100] =	vst v63  }
0xd7: {  	_ =	swait.ge [sflag:s4], $0x3000  }
0xd8: {  	[sflag:s4] =	ssyncset.done $0x0  }
0xd9: {  	[sflag:s4] =	ssyncadd.s32 $0xFFFFD000  }
0xda: {  	v3 =	vld [tilespmem:$0x90];
	_ =	sdelay $0x4  }
0xdb: {  	v57 =	vshrl.u32 v3, $0x3  }
0xdc: {  	v4 =	vmul.u32 $0x30, v57  }
0xdd: {  	v3 =	vand.u32 $0x7, v3  }
0xde: {  	v3 =	vor.u32 v3, v4  }
0xdf: {  	v4 =	vperm.xlane v3, v0;
	_ =	sdelay $0x1  }
0xe0: {  	v4 =	vadd.s32 v1, v4;
	_ =	sdelay $0x3  }
0xe1: {  	v3 =	vperm.xlane v3, v2  }
0xe2: {  	[tilespmem:s0], [sflag:$0x1] =	stream.indirect_vreg.gather [hbm4b:s2+s3], $0x80, v4, vm0, $0xb8;
	[tilespmem:$0x18100] =	vst v63  }
0xe3: {  	v3 =	vadd.s32 v1, v3  }
0xe4: {  	[tilespmem:s26], [sflag:$0x1] =	stream.indirect_vreg.gather [hbm4b:s5+s3], $0x80, v4, vm0, $0xb8;
	[tilespmem:$0x18100] =	vst v63  }
0xe5: {  	_ = 	snop  }
0xe6: {  	[tilespmem:s29], [sflag:$0x1] =	stream.indirect_vreg.gather [hbm4b:s6+s3], $0x80, v4, vm0, $0xb8;
	[tilespmem:$0x18100] =	vst v63  }
0xe7: {  	_ = 	snop  }
0xe8: {  	[tilespmem:s30], [sflag:$0x1] =	stream.indirect_vreg.gather [hbm4b:s2+s3], $0x80, v3, vm0, $0xb8;
	[tilespmem:$0x18100] =	vst v63  }
0xe9: {  	_ = 	snop  }
0xea: {  	[tilespmem:s31], [sflag:$0x1] =	stream.indirect_vreg.gather [hbm4b:s5+s3], $0x80, v3, vm0, $0xb8;
	[tilespmem:$0x18100] =	vst v63  }
0xeb: {  	_ = 	snop  }
0xec: {  	[tilespmem:s9], [sflag:$0x1] =	stream.indirect_vreg.gather [hbm4b:s6+s3], $0x80, v3, vm0, $0xb8;
	[tilespmem:$0x18100] =	vst v63  }
0xed: {  	_ =	swait.ge [sflag:s16], $0x3000  }
0xee: {  	[sflag:s16] =	ssyncset.done $0x0  }
0xef: {  	s9 =	simm.s32 $0x6100;
	s18 =	rddreg [dreg:$0x6];
	[sflag:s16] =	ssyncadd.s32 $0xFFFFD000  }
0xf0: {  	[hbm4b:s18+s3] =	stream.linear.scatter [tilespmem:s9], [sflag:$0x2], $0x3000, $0x38;
	[tilespmem:$0x18100] =	vst v63  }
0xf1: {  	_ =	swait.ge [sflag:s4], $0x3000  }
0xf2: {  	[sflag:s4] =	ssyncset.done $0x0  }
0xf3: {  	[sflag:s4] =	ssyncadd.s32 $0xFFFFD000  }
0xf4: {  	v3 =	vld [tilespmem:$0xA0];
	_ =	sdelay $0x4  }
0xf5: {  	v58 =	vshrl.u32 v3, $0x3  }
0xf6: {  	v4 =	vmul.u32 $0x30, v58  }
0xf7: {  	v3 =	vand.u32 $0x7, v3  }
0xf8: {  	v3 =	vor.u32 v3, v4  }
0xf9: {  	v4 =	vperm.xlane v3, v0;
	_ =	sdelay $0x1  }
0xfa: {  	v4 =	vadd.s32 v1, v4;
	_ =	sdelay $0x3  }
0xfb: {  	v3 =	vperm.xlane v3, v2  }
0xfc: {  	[tilespmem:s9], [sflag:$0x1] =	stream.indirect_vreg.gather [hbm4b:s2+s3], $0x80, v4, vm0, $0xb8;
	[tilespmem:$0x18100] =	vst v63  }
0xfd: {  	v3 =	vadd.s32 v1, v3  }
0xfe: {  	[tilespmem:s11], [sflag:$0x1] =	stream.indirect_vreg.gather [hbm4b:s5+s3], $0x80, v4, vm0, $0xb8;
	[tilespmem:$0x18100] =	vst v63  }
0xff: {  	_ = 	snop  }
0x100: {  	[tilespmem:s12], [sflag:$0x1] =	stream.indirect_vreg.gather [hbm4b:s6+s3], $0x80, v4, vm0, $0xb8;
	[tilespmem:$0x18100] =	vst v63  }
0x101: {  	_ = 	snop  }
0x102: {  	[tilespmem:s13], [sflag:$0x1] =	stream.indirect_vreg.gather [hbm4b:s2+s3], $0x80, v3, vm0, $0xb8;
	[tilespmem:$0x18100] =	vst v63  }
0x103: {  	_ = 	snop  }
0x104: {  	[tilespmem:s14], [sflag:$0x1] =	stream.indirect_vreg.gather [hbm4b:s5+s3], $0x80, v3, vm0, $0xb8;
	[tilespmem:$0x18100] =	vst v63  }
0x105: {  	_ = 	snop  }
0x106: {  	[tilespmem:s15], [sflag:$0x1] =	stream.indirect_vreg.gather [hbm4b:s6+s3], $0x80, v3, vm0, $0xb8;
	[tilespmem:$0x18100] =	vst v63  }
0x107: {  	_ =	swait.ge [sflag:s16], $0x3000  }
0x108: {  	[sflag:s16] =	ssyncset.done $0x0  }
0x109: {  	s12 =	simm.s32 $0x9100;
	s11 =	rddreg [dreg:$0x7];
	[sflag:s16] =	ssyncadd.s32 $0xFFFFD000  }
0x10a: {  	[hbm4b:s11+s3] =	stream.linear.scatter [tilespmem:s12], [sflag:$0x2], $0x3000, $0x38;
	[tilespmem:$0x18100] =	vst v63  }
0x10b: {  	_ =	swait.ge [sflag:s4], $0x3000  }
0x10c: {  	[sflag:s4] =	ssyncset.done $0x0  }
0x10d: {  	[sflag:s4] =	ssyncadd.s32 $0xFFFFD000  }
0x10e: {  	v3 =	vld [tilespmem:$0xB0];
	_ =	sdelay $0x4  }
0x10f: {  	v59 =	vshrl.u32 v3, $0x3  }
0x110: {  	v4 =	vmul.u32 $0x30, v59  }
0x111: {  	v3 =	vand.u32 $0x7, v3  }
0x112: {  	v3 =	vor.u32 v3, v4  }
0x113: {  	v4 =	vperm.xlane v3, v0;
	_ =	sdelay $0x1  }
0x114: {  	v4 =	vadd.s32 v1, v4;
	_ =	sdelay $0x3  }
0x115: {  	v3 =	vperm.xlane v3, v2  }
0x116: {  	[tilespmem:s12], [sflag:$0x1] =	stream.indirect_vreg.gather [hbm4b:s2+s3], $0x80, v4, vm0, $0xb8;
	[tilespmem:$0x18100] =	vst v63  }
0x117: {  	v3 =	vadd.s32 v1, v3  }
0x118: {  	[tilespmem:s21], [sflag:$0x1] =	stream.indirect_vreg.gather [hbm4b:s5+s3], $0x80, v4, vm0, $0xb8;
	[tilespmem:$0x18100] =	vst v63  }
0x119: {  	s18 =	simm.s32 $0xA100  }
0x11a: {  	[tilespmem:s18], [sflag:$0x1] =	stream.indirect_vreg.gather [hbm4b:s6+s3], $0x80, v4, vm0, $0xb8;
	[tilespmem:$0x18100] =	vst v63  }
0x11b: {  	_ = 	snop  }
0x11c: {  	[tilespmem:s24], [sflag:$0x1] =	stream.indirect_vreg.gather [hbm4b:s2+s3], $0x80, v3, vm0, $0xb8;
	[tilespmem:$0x18100] =	vst v63  }
0x11d: {  	s18 =	simm.s32 $0xB100  }
0x11e: {  	[tilespmem:s18], [sflag:$0x1] =	stream.indirect_vreg.gather [hbm4b:s5+s3], $0x80, v3, vm0, $0xb8;
	[tilespmem:$0x18100] =	vst v63  }
0x11f: {  	_ = 	snop  }
0x120: {  	[tilespmem:s28], [sflag:$0x1] =	stream.indirect_vreg.gather [hbm4b:s6+s3], $0x80, v3, vm0, $0xb8;
	[tilespmem:$0x18100] =	vst v63  }
0x121: {  	_ =	swait.ge [sflag:s16], $0x3000  }
0x122: {  	[sflag:s16] =	ssyncset.done $0x0  }
0x123: {  	s12 =	rddreg [dreg:$0x8];
	[sflag:s16] =	ssyncadd.s32 $0xFFFFD000  }
0x124: {  	[hbm4b:s12+s3] =	stream.linear.scatter [tilespmem:s17], [sflag:$0x2], $0x3000, $0x38;
	[tilespmem:$0x18100] =	vst v63  }
0x125: {  	_ =	swait.ge [sflag:s4], $0x3000  }
0x126: {  	[sflag:s4] =	ssyncset.done $0x0  }
0x127: {  	[sflag:s4] =	ssyncadd.s32 $0xFFFFD000  }
0x128: {  	v3 =	vld [tilespmem:$0xC0];
	_ =	sdelay $0x4  }
0x129: {  	v60 =	vshrl.u32 v3, $0x3  }
0x12a: {  	v4 =	vmul.u32 $0x30, v60  }
0x12b: {  	v3 =	vand.u32 $0x7, v3  }
0x12c: {  	v3 =	vor.u32 v3, v4  }
0x12d: {  	v4 =	vperm.xlane v3, v0;
	_ =	sdelay $0x1  }
0x12e: {  	v4 =	vadd.s32 v1, v4;
	_ =	sdelay $0x3  }
0x12f: {  	v3 =	vperm.xlane v3, v2  }
0x130: {  	[tilespmem:s17], [sflag:$0x1] =	stream.indirect_vreg.gather [hbm4b:s2+s3], $0x80, v4, vm0, $0xb8;
	[tilespmem:$0x18100] =	vst v63  }
0x131: {  	s18 =	simm.s32 $0xC900;
	v3 =	vadd.s32 v1, v3  }
0x132: {  	[tilespmem:s18], [sflag:$0x1] =	stream.indirect_vreg.gather [hbm4b:s5+s3], $0x80, v4, vm0, $0xb8;
	[tilespmem:$0x18100] =	vst v63  }
0x133: {  	s18 =	simm.s32 $0xD100  }
0x134: {  	[tilespmem:s18], [sflag:$0x1] =	stream.indirect_vreg.gather [hbm4b:s6+s3], $0x80, v4, vm0, $0xb8;
	[tilespmem:$0x18100] =	vst v63  }
0x135: {  	s18 =	simm.s32 $0xD900  }
0x136: {  	[tilespmem:s18], [sflag:$0x1] =	stream.indirect_vreg.gather [hbm4b:s2+s3], $0x80, v3, vm0, $0xb8;
	[tilespmem:$0x18100] =	vst v63  }
0x137: {  	s18 =	simm.s32 $0xE100  }
0x138: {  	[tilespmem:s18], [sflag:$0x1] =	stream.indirect_vreg.gather [hbm4b:s5+s3], $0x80, v3, vm0, $0xb8;
	[tilespmem:$0x18100] =	vst v63  }
0x139: {  	s18 =	simm.s32 $0xE900  }
0x13a: {  	[tilespmem:s18], [sflag:$0x1] =	stream.indirect_vreg.gather [hbm4b:s6+s3], $0x80, v3, vm0, $0xb8;
	[tilespmem:$0x18100] =	vst v63  }
0x13b: {  	_ =	swait.ge [sflag:s16], $0x3000  }
0x13c: {  	[sflag:s16] =	ssyncset.done $0x0  }
0x13d: {  	s12 =	rddreg [dreg:$0x9];
	[sflag:s16] =	ssyncadd.s32 $0xFFFFD000  }
0x13e: {  	[hbm4b:s12+s3] =	stream.linear.scatter [tilespmem:s10], [sflag:$0x2], $0x3000, $0x38;
	[tilespmem:$0x18100] =	vst v63  }
0x13f: {  	_ =	swait.ge [sflag:s4], $0x3000  }
0x140: {  	[sflag:s4] =	ssyncset.done $0x0  }
0x141: {  	[sflag:s4] =	ssyncadd.s32 $0xFFFFD000  }
0x142: {  	v3 =	vld [tilespmem:$0xD0];
	_ =	sdelay $0x4  }
0x143: {  	v61 =	vshrl.u32 v3, $0x3  }
0x144: {  	v4 =	vmul.u32 $0x30, v61  }
0x145: {  	v3 =	vand.u32 $0x7, v3  }
0x146: {  	v3 =	vor.u32 v3, v4  }
0x147: {  	v4 =	vperm.xlane v3, v0;
	_ =	sdelay $0x1  }
0x148: {  	v4 =	vadd.s32 v1, v4;
	_ =	sdelay $0x3  }
0x149: {  	v3 =	vperm.xlane v3, v2  }
0x14a: {  	[tilespmem:s10], [sflag:$0x1] =	stream.indirect_vreg.gather [hbm4b:s2+s3], $0x80, v4, vm0, $0xb8;
	[tilespmem:$0x18100] =	vst v63  }
0x14b: {  	s18 =	simm.s32 $0xF900;
	v3 =	vadd.s32 v1, v3  }
0x14c: {  	[tilespmem:s18], [sflag:$0x1] =	stream.indirect_vreg.gather [hbm4b:s5+s3], $0x80, v4, vm0, $0xb8;
	[tilespmem:$0x18100] =	vst v63  }
0x14d: {  	s18 =	simm.s32 $0x10100  }
0x14e: {  	[tilespmem:s18], [sflag:$0x1] =	stream.indirect_vreg.gather [hbm4b:s6+s3], $0x80, v4, vm0, $0xb8;
	[tilespmem:$0x18100] =	vst v63  }
0x14f: {  	s18 =	simm.s32 $0x10900  }
0x150: {  	[tilespmem:s18], [sflag:$0x1] =	stream.indirect_vreg.gather [hbm4b:s2+s3], $0x80, v3, vm0, $0xb8;
	[tilespmem:$0x18100] =	vst v63  }
0x151: {  	s18 =	simm.s32 $0x11100  }
0x152: {  	[tilespmem:s18], [sflag:$0x1] =	stream.indirect_vreg.gather [hbm4b:s5+s3], $0x80, v3, vm0, $0xb8;
	[tilespmem:$0x18100] =	vst v63  }
0x153: {  	s18 =	simm.s32 $0x11900  }
0x154: {  	[tilespmem:s18], [sflag:$0x1] =	stream.indirect_vreg.gather [hbm4b:s6+s3], $0x80, v3, vm0, $0xb8;
	[tilespmem:$0x18100] =	vst v63  }
0x155: {  	_ =	swait.ge [sflag:s16], $0x3000  }
0x156: {  	[sflag:s16] =	ssyncset.done $0x0  }
0x157: {  	s12 =	rddreg [dreg:$0xa];
	[sflag:s16] =	ssyncadd.s32 $0xFFFFD000  }
0x158: {  	[hbm4b:s12+s3] =	stream.linear.scatter [tilespmem:s8], [sflag:$0x2], $0x3000, $0x38;
	[tilespmem:$0x18100] =	vst v63  }
0x159: {  	_ =	swait.ge [sflag:s4], $0x3000  }
0x15a: {  	[sflag:s4] =	ssyncset.done $0x0  }
0x15b: {  	[sflag:s4] =	ssyncadd.s32 $0xFFFFD000  }
0x15c: {  	v3 =	vld [tilespmem:$0xE0];
	_ =	sdelay $0x4  }
0x15d: {  	v62 =	vshrl.u32 v3, $0x3  }
0x15e: {  	v4 =	vmul.u32 $0x30, v62  }
0x15f: {  	v3 =	vand.u32 $0x7, v3  }
0x160: {  	v3 =	vor.u32 v3, v4  }
0x161: {  	v4 =	vperm.xlane v3, v0;
	_ =	sdelay $0x1  }
0x162: {  	v4 =	vadd.s32 v1, v4;
	_ =	sdelay $0x3  }
0x163: {  	v3 =	vperm.xlane v3, v2  }
0x164: {  	[tilespmem:s8], [sflag:$0x1] =	stream.indirect_vreg.gather [hbm4b:s2+s3], $0x80, v4, vm0, $0xb8;
	[tilespmem:$0x18100] =	vst v63  }
0x165: {  	s18 =	simm.s32 $0x12900;
	v3 =	vadd.s32 v1, v3  }
0x166: {  	[tilespmem:s18], [sflag:$0x1] =	stream.indirect_vreg.gather [hbm4b:s5+s3], $0x80, v4, vm0, $0xb8;
	[tilespmem:$0x18100] =	vst v63  }
0x167: {  	s18 =	simm.s32 $0x13100  }
0x168: {  	[tilespmem:s18], [sflag:$0x1] =	stream.indirect_vreg.gather [hbm4b:s6+s3], $0x80, v4, vm0, $0xb8;
	[tilespmem:$0x18100] =	vst v63  }
0x169: {  	s18 =	simm.s32 $0x13900  }
0x16a: {  	[tilespmem:s18], [sflag:$0x1] =	stream.indirect_vreg.gather [hbm4b:s2+s3], $0x80, v3, vm0, $0xb8;
	[tilespmem:$0x18100] =	vst v63  }
0x16b: {  	s18 =	simm.s32 $0x14100  }
0x16c: {  	[tilespmem:s18], [sflag:$0x1] =	stream.indirect_vreg.gather [hbm4b:s5+s3], $0x80, v3, vm0, $0xb8;
	[tilespmem:$0x18100] =	vst v63  }
0x16d: {  	s18 =	simm.s32 $0x14900  }
0x16e: {  	[tilespmem:s18], [sflag:$0x1] =	stream.indirect_vreg.gather [hbm4b:s6+s3], $0x80, v3, vm0, $0xb8;
	[tilespmem:$0x18100] =	vst v63  }
0x16f: {  	_ =	swait.ge [sflag:s16], $0x3000  }
0x170: {  	[sflag:s16] =	ssyncset.done $0x0  }
0x171: {  	s12 =	rddreg [dreg:$0xb];
	[sflag:s16] =	ssyncadd.s32 $0xFFFFD000  }
0x172: {  	[hbm4b:s12+s3] =	stream.linear.scatter [tilespmem:s1], [sflag:$0x2], $0x3000, $0x38;
	[tilespmem:$0x18100] =	vst v63  }
0x173: {  	_ =	swait.ge [sflag:s4], $0x3000  }
0x174: {  	[sflag:s4] =	ssyncset.done $0x0  }
0x175: {  	[sflag:s4] =	ssyncadd.s32 $0xFFFFD000  }
0x176: {  	v3 =	vld [tilespmem:$0xF0];
	_ =	sdelay $0x4  }
0x177: {  	v63 =	vshrl.u32 v3, $0x3  }
0x178: {  	v4 =	vmul.u32 $0x30, v63  }
0x179: {  	v3 =	vand.u32 $0x7, v3  }
0x17a: {  	v3 =	vor.u32 v3, v4  }
0x17b: {  	v4 =	vperm.xlane v3, v0;
	_ =	sdelay $0x1  }
0x17c: {  	v4 =	vadd.s32 v1, v4;
	_ =	sdelay $0x3  }
0x17d: {  	v3 =	vperm.xlane v3, v2  }
0x17e: {  	[tilespmem:s1], [sflag:$0x1] =	stream.indirect_vreg.gather [hbm4b:s2+s3], $0x80, v4, vm0, $0xb8;
	[tilespmem:$0x18100] =	vst v63  }
0x17f: {  	s18 =	simm.s32 $0x15900;
	v3 =	vadd.s32 v1, v3  }
0x180: {  	[tilespmem:s18], [sflag:$0x1] =	stream.indirect_vreg.gather [hbm4b:s5+s3], $0x80, v4, vm0, $0xb8;
	[tilespmem:$0x18100] =	vst v63  }
0x181: {  	s18 =	simm.s32 $0x16100  }
0x182: {  	[tilespmem:s18], [sflag:$0x1] =	stream.indirect_vreg.gather [hbm4b:s6+s3], $0x80, v4, vm0, $0xb8;
	[tilespmem:$0x18100] =	vst v63  }
0x183: {  	s18 =	simm.s32 $0x16900  }
0x184: {  	[tilespmem:s18], [sflag:$0x1] =	stream.indirect_vreg.gather [hbm4b:s2+s3], $0x80, v3, vm0, $0xb8;
	[tilespmem:$0x18100] =	vst v63  }
0x185: {  	s18 =	simm.s32 $0x17100  }
0x186: {  	[tilespmem:s18], [sflag:$0x1] =	stream.indirect_vreg.gather [hbm4b:s5+s3], $0x80, v3, vm0, $0xb8;
	[tilespmem:$0x18100] =	vst v63  }
0x187: {  	s18 =	simm.s32 $0x17900  }
0x188: {  	[tilespmem:s18], [sflag:$0x1] =	stream.indirect_vreg.gather [hbm4b:s6+s3], $0x80, v3, vm0, $0xb8;
	[tilespmem:$0x18100] =	vst v63  }
0x189: {  	_ =	swait.ge [sflag:s16], $0x3000  }
0x18a: {  	[sflag:s16] =	ssyncset.done $0x0  }
0x18b: {  	s12 =	simm.s32 $0x100;
	s18 =	rddreg [dreg:$0xc];
	[sflag:s16] =	ssyncadd.s32 $0xFFFFD000  }
0x18c: {  	[hbm4b:s18+s3] =	stream.linear.scatter [tilespmem:s12], [sflag:$0x2], $0x3000, $0x38;
	[tilespmem:$0x18100] =	vst v63  }
0x18d: {  	_ =	swait.ge [sflag:s16], $0x3000  }
0x18e: {  	[sflag:s16] =	ssyncset.done $0x0  }
0x18f: {  	s0 =	simm.s32 $0x3100;
	s12 =	rddreg [dreg:$0xd];
	[sflag:s16] =	ssyncadd.s32 $0xFFFFD000  }
0x190: {  	[hbm4b:s12+s3] =	stream.linear.scatter [tilespmem:s0], [sflag:$0x2], $0x3000, $0x38;
	[tilespmem:$0x18100] =	vst v63  }
0x191: {  	_ =	swait.ge [sflag:s16], $0x3000  }
0x192: {  	[sflag:s16] =	ssyncset.done $0x0  }
0x193: {  	s9 =	simm.s32 $0x6100;
	s0 =	rddreg [dreg:$0xe];
	[sflag:s16] =	ssyncadd.s32 $0xFFFFD000  }
0x194: {  	[hbm4b:s0+s3] =	stream.linear.scatter [tilespmem:s9], [sflag:$0x2], $0x3000, $0x38;
	[tilespmem:$0x18100] =	vst v63  }
0x195: {  	_ =	swait.ge [sflag:s16], $0x3000  }
0x196: {  	[sflag:s16] =	ssyncset.done $0x0  }
0x197: {  	s11 =	simm.s32 $0x9100;
	s12 =	rddreg [dreg:$0xf];
	[sflag:s16] =	ssyncadd.s32 $0xFFFFD000  }
0x198: {  	[hbm4b:s12+s3] =	stream.linear.scatter [tilespmem:s11], [sflag:$0x2], $0x3000, $0x38;
	[tilespmem:$0x18100] =	vst v63  }
0x199: {  	_ =	swait.ge [sflag:s16], $0x3000  }
0x19a: {  	[sflag:s16] =	ssyncset.done $0x0  }
0x19b: {  	s0 =	rddreg [dreg:$0x10];
	[sflag:s16] =	ssyncadd.s32 $0xFFFFD000  }
0x19c: {  	[hbm4b:s0+s3] =	stream.linear.scatter [tilespmem:s17], [sflag:$0x2], $0x3000, $0x38;
	[tilespmem:$0x18100] =	vst v63  }
0x19d: {  	_ =	swait.ge [sflag:s16], $0x3000  }
0x19e: {  	[sflag:s16] =	ssyncset.done $0x0  }
0x19f: {  	s9 =	rddreg [dreg:$0x11];
	[sflag:s16] =	ssyncadd.s32 $0xFFFFD000  }
0x1a0: {  	[hbm4b:s9+s3] =	stream.linear.scatter [tilespmem:s10], [sflag:$0x2], $0x3000, $0x38;
	[tilespmem:$0x18100] =	vst v63  }
0x1a1: {  	_ =	swait.ge [sflag:s16], $0x3000  }
0x1a2: {  	[sflag:s16] =	ssyncset.done $0x0  }
0x1a3: {  	s11 =	rddreg [dreg:$0x12];
	[sflag:s16] =	ssyncadd.s32 $0xFFFFD000  }
0x1a4: {  	[hbm4b:s11+s3] =	stream.linear.scatter [tilespmem:s8], [sflag:$0x2], $0x3000, $0x38;
	[tilespmem:$0x18100] =	vst v63  }
0x1a5: {  	_ =	swait.ge [sflag:s16], $0x3000  }
0x1a6: {  	[sflag:s16] =	ssyncset.done $0x0  }
0x1a7: {  	s12 =	rddreg [dreg:$0x13];
	[sflag:s16] =	ssyncadd.s32 $0xFFFFD000  }
0x1a8: {  	[hbm4b:s12+s3] =	stream.linear.scatter [tilespmem:s1], [sflag:$0x2], $0x3000, $0x38;
	[tilespmem:$0x18100] =	vst v63  }
0x1a9: {  	_ =	swait.ge [sflag:s4], $0x3000  }
0x1aa: {  	[sflag:s4] =	ssyncset.done $0x0  }
0x1ab: {  	[sflag:s4] =	ssyncadd.s32 $0xFFFFD000  }
0x1ac: {  	_ =	swait.ge [sflag:s4], $0x3000  }
0x1ad: {  	[sflag:s4] =	ssyncset.done $0x0  }
0x1ae: {  	[sflag:s4] =	ssyncadd.s32 $0xFFFFD000  }
0x1af: {  	_ =	swait.ge [sflag:s4], $0x3000  }
0x1b0: {  	[sflag:s4] =	ssyncset.done $0x0  }
0x1b1: {  	[sflag:s4] =	ssyncadd.s32 $0xFFFFD000  }
0x1b2: {  	_ =	swait.ge [sflag:s4], $0x3000  }
0x1b3: {  	[sflag:s4] =	ssyncset.done $0x0  }
0x1b4: {  	[sflag:s4] =	ssyncadd.s32 $0xFFFFD000  }
0x1b5: {  	_ =	swait.ge [sflag:s4], $0x3000  }
0x1b6: {  	[sflag:s4] =	ssyncset.done $0x0  }
0x1b7: {  	[sflag:s4] =	ssyncadd.s32 $0xFFFFD000  }
0x1b8: {  	_ =	swait.ge [sflag:s4], $0x3000  }
0x1b9: {  	[sflag:s4] =	ssyncset.done $0x0  }
0x1ba: {  	[sflag:s4] =	ssyncadd.s32 $0xFFFFD000  }
0x1bb: {  	p0 =	sne.s32 s7, $0x1;
	_ =	swait.ge [sflag:s4], $0x3000  }
.Ltmp0:
0x1bc: {  	[sflag:s4] =	ssyncset.done $0x0;
	(pc) =	sbr.rel @p0 .LBB2_1-.Ltmp0, $4  }
0x1bd: {  	[sflag:s4] =	ssyncadd.s32 $0xFFFFD000  }
0x1be: {  	_ =	swait.ge [sflag:s4], $0x3000  }
0x1bf: {  	[sflag:s4] =	ssyncset.done $0x0  }
0x1c0: {  	s7 =	sadd.s32 $0xFFFFFFFF, s7;
	[sflag:s4] =	ssyncadd.s32 $0xFFFFD000  }
0x1c1: {  	_ =	sfence.sel $0x180000  }
0x1c2: {  	[bflag:$0x0] =	sbarrier.arrive $0xFFFF  }
0x1c3: {  	_ =	strace $0x90000047  }
0x1c4: {  	s0 =	stileid.u32;
	[bflag:$0x2] =	sbarrier.arrive $0xFFFF  }
0x1c5: {  	p0 =	sne.s32 s0, $0x0;
	s0 =	rddreg [dreg:$0x3]  }
0x1c6: {  	s0 =	sadd.s32 @!p0 $0x100000, s0  }
0x1c7: {  	[sflag:s0] =	ssyncadd.tile.s32 @!p0 $0x1;
	_ =	shalt  }
.Lfunc_end2:
_tile_overlayer_lowered:
.L_overlay_start_2:
0x1c8: {  	(tag) =	ssettag $0x2  }
0x1c9: {  	s0 =	rddreg [dreg:$0x0];
	s2 =	stileid.u32  }
0x1ca: {  	s1 =	rddreg [dreg:$0x1];
	p0 =	sne.s32 s2, $0x0  }
0x1cb: {  	s3 =	rddreg [dreg:$0x2];
	[bflag:$0x3] =	sbarrier.arrive $0xFFFF;
	s2 =	simm.s32 @!p0 $0x1C03  }
0x1cc: {  	[timem:s3], [sflag:s2] =	dma.local @!p0 [hbm:s0], s1  }
0x1cd: {  	s0 =	simm.s32 @!p0 $0x3  }
0x1ce: {  	_ =	swait.ge @!p0 [sflag:s0], s1  }
0x1cf: {  	s1 =	ssub.s32 @!p0 $0x0, s1;
	[sflag:s0] =	ssyncset.done @!p0 $0x0  }
0x1d0: {  	[sflag:s0] =	ssyncadd.s32 @!p0 s1  }
0x1d1: {  	[bflag:$0x3] =	sbarrier.arrive $0xFFFF  }
0x1d2: {  	_ =	shalt  }

</sc_bundles>
